<compile_context>
chip_gen: v7x
topology: tpu7x:2x2x1
jax: 0.10.2.dev20260603
libtpu: 0.0.44.dev20260713+nightly
codegen_flags: <defaults>
</compile_context>

<pallas_src>
import functools

import jax
import jax.numpy as jnp
from jax import lax
from jax.experimental import pallas as pl
from jax.experimental.pallas import tpu as pltpu
from jax.experimental.pallas import tpu_sc as plsc

_BR = 1000


_DN = (((1,), (1,)), ((), ()))


def _dense(x, w, b):
    N, D = x.shape

    def body(x_ref, w_ref, b_ref, o_ref):
        o_ref[...] = (
            lax.dot_general(x_ref[...], w_ref[...], _DN,
                            preferred_element_type=jnp.float32)
            + b_ref[...]
        ) * 0.5

    return pl.pallas_call(
        body,
        grid=(N // _BR,),
        in_specs=[
            pl.BlockSpec((_BR, D), lambda i: (i, 0)),
            pl.BlockSpec((D, D), lambda i: (0, 0)),
            pl.BlockSpec((1, D), lambda i: (0, 0)),
        ],
        out_specs=pl.BlockSpec((_BR, D), lambda i: (i, 0)),
        out_shape=jax.ShapeDtypeStruct((N, D), jnp.float32),
    )(x, w, b)


def _combine_relu_dense(t, p, w, b):
    N, D = t.shape
    NC = p.shape[0]

    def body(t_ref, p_ref, w_ref, b_ref, o_ref):
        h = t_ref[...] + jnp.sum(p_ref[...], axis=0)
        h = jnp.maximum(h, 0.0)
        o_ref[...] = (
            lax.dot_general(h, w_ref[...], _DN,
                            preferred_element_type=jnp.float32)
            + b_ref[...]
        ) * 0.5

    return pl.pallas_call(
        body,
        grid=(N // _BR,),
        in_specs=[
            pl.BlockSpec((_BR, D), lambda i: (i, 0)),
            pl.BlockSpec((NC, _BR, D), lambda i: (0, i, 0)),
            pl.BlockSpec((D, D), lambda i: (0, 0)),
            pl.BlockSpec((1, D), lambda i: (0, 0)),
        ],
        out_specs=pl.BlockSpec((_BR, D), lambda i: (i, 0)),
        out_shape=jax.ShapeDtypeStruct((N, D), jnp.float32),
    )(t, p, w, b)


def _combine(t, p):
    N, D = t.shape
    NC = p.shape[0]

    def body(t_ref, p_ref, o_ref):
        o_ref[...] = t_ref[...] + jnp.sum(p_ref[...], axis=0)

    return pl.pallas_call(
        body,
        grid=(N // _BR,),
        in_specs=[
            pl.BlockSpec((_BR, D), lambda i: (i, 0)),
            pl.BlockSpec((NC, _BR, D), lambda i: (0, i, 0)),
        ],
        out_specs=pl.BlockSpec((_BR, D), lambda i: (i, 0)),
        out_shape=jax.ShapeDtypeStruct((N, D), jnp.float32),
    )(t, p)


def _sc_aggregate(t, rc3, zeros):
    N, D = t.shape
    _, NW, nch, CH = rc3.shape
    info = plsc.get_sparse_core_info()
    NC, NS = info.num_cores, info.num_subcores
    assert NW == NC * NS and N % NS == 0 and D % 16 == 0
    RPT = N // NS
    SB = max(s for s in range(2, 41, 2) if nch % s == 0)
    NSB = nch // SB
    mesh = plsc.VectorSubcoreMesh(core_axis_name="c", subcore_axis_name="s")

    @functools.partial(
        pl.kernel,
        out_type=jax.ShapeDtypeStruct((NC, NS, RPT, D), jnp.float32),
        mesh=mesh,
        scratch_types=[
            pltpu.VMEM((SB, CH), jnp.int32),
            pltpu.VMEM((SB, CH), jnp.int32),
            pltpu.VMEM((CH, D), jnp.float32),
            pltpu.VMEM((CH, D), jnp.float32),
            pltpu.VMEM_SHARED((N, D), jnp.float32),
            pltpu.SemaphoreType.DMA,
            pltpu.SemaphoreType.DMA,
        ],
    )
    def k(t_hbm, rc_hbm, z_hbm, out_hbm, rowb, colb, r0, r1, acc, s0, s1):
        cid = lax.axis_index("c")
        sid = lax.axis_index("s")
        wid = sid * NC + cid
        rows = (r0, r1)
        sems = (s0, s1)

        pltpu.sync_copy(z_hbm, acc.at[pl.ds(sid * RPT, RPT)])
        plsc.subcore_barrier()

        def fire(j, b):
            pltpu.async_copy(t_hbm.at[rowb.at[j]], rows[b], sems[b])

        def wait(j, b):
            pltpu.make_async_copy(t_hbm.at[rowb.at[j]], rows[b], sems[b]).wait()

        def scat(j, b):
            pltpu.sync_copy(rows[b], acc.at[colb.at[j]], add=True)

        def sblock(s, c):
            pltpu.sync_copy(rc_hbm.at[0, wid, pl.ds(s * SB, SB)], rowb)
            pltpu.sync_copy(rc_hbm.at[1, wid, pl.ds(s * SB, SB)], colb)
            fire(0, 0)
            fire(1, 1)

            def body(i, c2):
                j = 2 * i
                for b in range(2):
                    wait(j + b, b)
                    scat(j + b, b)
                    fire(j + b + 2, b)
                return c2

            lax.fori_loop(0, SB // 2 - 1, body, 0)
            for b in range(2):
                wait(SB - 2 + b, b)
                scat(SB - 2 + b, b)
            return c

        lax.fori_loop(0, NSB, sblock, 0)
        plsc.subcore_barrier()
        pltpu.sync_copy(acc.at[pl.ds(sid * RPT, RPT)], out_hbm.at[cid, sid])

    return k(t, rc3, zeros).reshape(NC, N, D)


def kernel(node_features, edge_index, weight0, bias0, weight1, bias1, hidden_dim):
    del hidden_dim
    N = node_features.shape[0]
    E = edge_index.shape[1]
    info = plsc.get_sparse_core_info()
    NW = info.num_cores * info.num_subcores
    EPW = E // NW
    assert E % NW == 0
    CH = max(c for c in range(1, 129) if EPW % c == 0 and (EPW // c) % 2 == 0)
    rc3 = edge_index.reshape(2, NW, EPW // CH, CH)
    NS = info.num_subcores
    zeros = jnp.zeros((N // NS, node_features.shape[1]), jnp.float32)
    t0 = _dense(node_features, weight0[0], bias0)
    p0 = _sc_aggregate(t0, rc3, zeros)
    t1 = _combine_relu_dense(t0, p0, weight1[0], bias1)
    p1 = _sc_aggregate(t1, rc3, zeros)
    return _combine(t1, p1)

# --- scband reference (transcript-rebuilt; emitter-appended) ---
"""Pipeline reference for scband-adaptive-dimension-hyper-gnn-12704513262258 (READ-ONLY COPY).

The authoritative reference and input builder live on the scoring server;
editing this copy changes nothing except your own understanding.
"""

import jax, jax.numpy as jnp
import numpy as np

N = 10000
E = 320000
D = 128


def setup_inputs(seed: int = 0) -> dict:
    key = jax.random.key(seed)
    k1, k2, k3, k4, k5, k6 = jax.random.split(key, 6)
    node_features = jax.random.normal(k1, (N, D), dtype=jnp.float32)
    edge_index = jax.random.randint(k2, (2, E), 0, N, dtype=jnp.int32)
    weight0 = jax.random.normal(k3, (1, D, D), dtype=jnp.float32) * 0.05
    bias0 = jax.random.normal(k4, (1, D), dtype=jnp.float32) * 0.05
    weight1 = jax.random.normal(k5, (1, D, D), dtype=jnp.float32) * 0.05
    bias1 = jax.random.normal(k6, (1, D), dtype=jnp.float32) * 0.05
    return {
        "node_features": node_features,
        "edge_index": edge_index,
        "weight0": weight0,
        "bias0": bias0,
        "weight1": weight1,
        "bias1": bias1,
        "hidden_dim": D,
    }


def _apply_adaptive_layer(features, row, col, weight_matrix, bias_vector):
    # transformed = features @ W^T + b
    transformed = jnp.dot(features, weight_matrix.T) + bias_vector
    # messages gathered from source nodes
    messages = jnp.take(transformed, row, axis=0)
    # scatter-add into destination nodes
    aggregated = jnp.zeros_like(transformed).at[col].add(messages)
    output = (transformed + aggregated) / 2.0
    return output


def reference(node_features, edge_index, weight0, bias0, weight1, bias1, hidden_dim):
    # node_features.shape[1] == hidden_dim, so the dynamic projection branch is skipped
    row = edge_index[0]
    col = edge_index[1]
    feat = node_features
    # layer 0
    feat = _apply_adaptive_layer(feat, row, col, weight0[0], bias0[0])
    # inter-layer activation (dropout is a no-op in eval mode)
    feat = jax.nn.relu(feat)
    # layer 1 (last layer: no relu)
    feat = _apply_adaptive_layer(feat, row, col, weight1[0], bias1[0])
    return feat

if __name__ == "__main__":
    import jax
    _d = setup_inputs()
    print(jax.jit(kernel)(*tuple(_d.values())))

</pallas_src>

<mosaic_0001>
#map = affine_map<(d0, d1) -> (0, 0)>
#map1 = affine_map<(d0, d1) -> (0, 0, 0, 0)>
module attributes {stable_mosaic.version = 14 : i64} {
  func.func @k(%arg0: i32, %arg1: i32, %arg2: memref<10000x128xf32, #tpu.memory_space<hbm>>, %arg3: memref<2x32x80x125xi32, #tpu.memory_space<hbm>>, %arg4: memref<625x128xf32, #tpu.memory_space<hbm>>, %arg5: memref<2x16x625x128xf32, #tpu.memory_space<hbm>>, %arg6: memref<40x125xi32, #tpu.memory_space<vmem>>, %arg7: memref<40x125xi32, #tpu.memory_space<vmem>>, %arg8: memref<125x128xf32, #tpu.memory_space<vmem>>, %arg9: memref<125x128xf32, #tpu.memory_space<vmem>>, %arg10: memref<10000x128xf32, #tpu.memory_space<vmem_shared>>, %arg11: memref<!tpu.dma_semaphore, #tpu.memory_space<semaphore_mem>>, %arg12: memref<!tpu.dma_semaphore, #tpu.memory_space<semaphore_mem>>) attributes {dimension_semantics = [#tpu.dimension_semantics<core_parallel>, #tpu.dimension_semantics<subcore_parallel>], iteration_bounds = array<i64: 2, 16>, scalar_prefetch = 0 : i64, scratch_operands = 7 : i64, tpu.core_type = #tpu.core_type<sc_vector_subcore>, window_params = [{transform_indices = #map}, {transform_indices = #map1}, {transform_indices = #map}, {transform_indices = #map1}]} {
    %mul3A = arith.constant 2 : i32
    %mul3A_0 = arith.muli %arg1, %mul3A : i32
    %add3A = arith.addi %mul3A_0, %arg0 : i32
    %mul3A_1 = arith.constant 625 : i32
    %mul3A_2 = arith.muli %arg1, %mul3A_1 : i32
    "tpu.region"() ({
      %run_scoped3A = tpu.sem_alloc : memref<!tpu.dma_semaphore, #tpu.memory_space<semaphore_mem>>
      %dma_start3A = arith.constant 0 : i32
      %dma_start3A_11 = tpu.memref_slice %arg10[%mul3A_2, %dma_start3A] : memref<10000x128xf32, #tpu.memory_space<vmem_shared>> -> memref<625x128xf32, #tpu.memory_space<vmem_shared>>
      tpu.enqueue_dma source(%arg4 : memref<625x128xf32, #tpu.memory_space<hbm>>) target(%dma_start3A_11 : memref<625x128xf32, #tpu.memory_space<vmem_shared>>) target_semaphore(%run_scoped3A : memref<!tpu.dma_semaphore, #tpu.memory_space<semaphore_mem>>)
      %dma_wait3A = arith.constant 0 : i32
      %dma_wait3A_12 = tpu.memref_slice %arg10[%mul3A_2, %dma_wait3A] : memref<10000x128xf32, #tpu.memory_space<vmem_shared>> -> memref<625x128xf32, #tpu.memory_space<vmem_shared>>
      tpu.wait_dma2 semaphore(%run_scoped3A : memref<!tpu.dma_semaphore, #tpu.memory_space<semaphore_mem>>) src(%arg4 : memref<625x128xf32, #tpu.memory_space<hbm>>) dst(%dma_wait3A_12 : memref<625x128xf32, #tpu.memory_space<vmem_shared>>)
      tpu.yield
    }) : () -> ()
    %barrier3A = arith.constant 0 : index
    tpu.barrier barrier_id(%barrier3A)
    %scan3A = arith.constant 0 : i32
    %scan3A_3 = arith.constant 0 : i32
    %scan3A_4 = arith.constant 2 : i32
    %scan3A_5 = arith.addi %scan3A_3, %scan3A_4 : i32
    %scan3A_6 = arith.constant 1 : i32
    scf.for %scan3A_11 = %scan3A_3 to %scan3A_5 step %scan3A_6  : i32 {
      %mul3A_12 = arith.constant 40 : i32
      %mul3A_13 = arith.muli %scan3A_11, %mul3A_12 : i32
      %run_scoped3A = arith.constant 0 : i32
      "tpu.region"() ({
        %run_scoped3A_51 = tpu.sem_alloc : memref<!tpu.dma_semaphore, #tpu.memory_space<semaphore_mem>>
        %dma_start3A_52 = arith.constant 0 : i32
        %dma_start3A_53 = tpu.memref_slice %arg3[%run_scoped3A, %add3A, %mul3A_13, %dma_start3A_52] : memref<2x32x80x125xi32, #tpu.memory_space<hbm>> -> memref<1x1x40x125xi32, #tpu.memory_space<hbm>>
        %dma_start3A_54 = tpu.memref_squeeze %dma_start3A_53 : memref<1x1x40x125xi32, #tpu.memory_space<hbm>> -> memref<40x125xi32, #tpu.memory_space<hbm>>
        %dma_start3A_55 = arith.constant 0 : i32
        %dma_start3A_56 = tpu.memref_slice %arg3[%run_scoped3A, %add3A, %mul3A_13, %dma_start3A_55] : memref<2x32x80x125xi32, #tpu.memory_space<hbm>> -> memref<1x1x40x125xi32, #tpu.memory_space<hbm>>
        %dma_start3A_57 = tpu.memref_squeeze %dma_start3A_56 : memref<1x1x40x125xi32, #tpu.memory_space<hbm>> -> memref<40x125xi32, #tpu.memory_space<hbm>>
        tpu.enqueue_dma source(%dma_start3A_57 : memref<40x125xi32, #tpu.memory_space<hbm>>) target(%arg6 : memref<40x125xi32, #tpu.memory_space<vmem>>) target_semaphore(%run_scoped3A_51 : memref<!tpu.dma_semaphore, #tpu.memory_space<semaphore_mem>>)
        %dma_wait3A_58 = arith.constant 0 : i32
        %dma_wait3A_59 = tpu.memref_slice %arg3[%run_scoped3A, %add3A, %mul3A_13, %dma_wait3A_58] : memref<2x32x80x125xi32, #tpu.memory_space<hbm>> -> memref<1x1x40x125xi32, #tpu.memory_space<hbm>>
        %dma_wait3A_60 = tpu.memref_squeeze %dma_wait3A_59 : memref<1x1x40x125xi32, #tpu.memory_space<hbm>> -> memref<40x125xi32, #tpu.memory_space<hbm>>
        %dma_wait3A_61 = arith.constant 0 : i32
        %dma_wait3A_62 = tpu.memref_slice %arg3[%run_scoped3A, %add3A, %mul3A_13, %dma_wait3A_61] : memref<2x32x80x125xi32, #tpu.memory_space<hbm>> -> memref<1x1x40x125xi32, #tpu.memory_space<hbm>>
        %dma_wait3A_63 = tpu.memref_squeeze %dma_wait3A_62 : memref<1x1x40x125xi32, #tpu.memory_space<hbm>> -> memref<40x125xi32, #tpu.memory_space<hbm>>
        tpu.wait_dma2 semaphore(%run_scoped3A_51 : memref<!tpu.dma_semaphore, #tpu.memory_space<semaphore_mem>>) src(%dma_wait3A_63 : memref<40x125xi32, #tpu.memory_space<hbm>>) dst(%arg6 : memref<40x125xi32, #tpu.memory_space<vmem>>)
        tpu.yield
      }) : () -> ()
      %mul3A_14 = arith.constant 40 : i32
      %mul3A_15 = arith.muli %scan3A_11, %mul3A_14 : i32
      %run_scoped3A_16 = arith.constant 1 : i32
      "tpu.region"() ({
        %run_scoped3A_51 = tpu.sem_alloc : memref<!tpu.dma_semaphore, #tpu.memory_space<semaphore_mem>>
        %dma_start3A_52 = arith.constant 0 : i32
        %dma_start3A_53 = tpu.memref_slice %arg3[%run_scoped3A_16, %add3A, %mul3A_15, %dma_start3A_52] : memref<2x32x80x125xi32, #tpu.memory_space<hbm>> -> memref<1x1x40x125xi32, #tpu.memory_space<hbm>>
        %dma_start3A_54 = tpu.memref_squeeze %dma_start3A_53 : memref<1x1x40x125xi32, #tpu.memory_space<hbm>> -> memref<40x125xi32, #tpu.memory_space<hbm>>
        %dma_start3A_55 = arith.constant 0 : i32
        %dma_start3A_56 = tpu.memref_slice %arg3[%run_scoped3A_16, %add3A, %mul3A_15, %dma_start3A_55] : memref<2x32x80x125xi32, #tpu.memory_space<hbm>> -> memref<1x1x40x125xi32, #tpu.memory_space<hbm>>
        %dma_start3A_57 = tpu.memref_squeeze %dma_start3A_56 : memref<1x1x40x125xi32, #tpu.memory_space<hbm>> -> memref<40x125xi32, #tpu.memory_space<hbm>>
        tpu.enqueue_dma source(%dma_start3A_57 : memref<40x125xi32, #tpu.memory_space<hbm>>) target(%arg7 : memref<40x125xi32, #tpu.memory_space<vmem>>) target_semaphore(%run_scoped3A_51 : memref<!tpu.dma_semaphore, #tpu.memory_space<semaphore_mem>>)
        %dma_wait3A_58 = arith.constant 0 : i32
        %dma_wait3A_59 = tpu.memref_slice %arg3[%run_scoped3A_16, %add3A, %mul3A_15, %dma_wait3A_58] : memref<2x32x80x125xi32, #tpu.memory_space<hbm>> -> memref<1x1x40x125xi32, #tpu.memory_space<hbm>>
        %dma_wait3A_60 = tpu.memref_squeeze %dma_wait3A_59 : memref<1x1x40x125xi32, #tpu.memory_space<hbm>> -> memref<40x125xi32, #tpu.memory_space<hbm>>
        %dma_wait3A_61 = arith.constant 0 : i32
        %dma_wait3A_62 = tpu.memref_slice %arg3[%run_scoped3A_16, %add3A, %mul3A_15, %dma_wait3A_61] : memref<2x32x80x125xi32, #tpu.memory_space<hbm>> -> memref<1x1x40x125xi32, #tpu.memory_space<hbm>>
        %dma_wait3A_63 = tpu.memref_squeeze %dma_wait3A_62 : memref<1x1x40x125xi32, #tpu.memory_space<hbm>> -> memref<40x125xi32, #tpu.memory_space<hbm>>
        tpu.wait_dma2 semaphore(%run_scoped3A_51 : memref<!tpu.dma_semaphore, #tpu.memory_space<semaphore_mem>>) src(%dma_wait3A_63 : memref<40x125xi32, #tpu.memory_space<hbm>>) dst(%arg7 : memref<40x125xi32, #tpu.memory_space<vmem>>)
        tpu.yield
      }) : () -> ()
      %dma_start3A = arith.constant 0 : i32
      %dma_start3A_17 = arith.constant 0 : i32
      %dma_start3A_18 = tpu.memref_slice %arg6[%dma_start3A, %dma_start3A_17] : memref<40x125xi32, #tpu.memory_space<vmem>> -> memref<1x125xi32, #tpu.memory_space<vmem>>
      %dma_start3A_19 = tpu.memref_squeeze %dma_start3A_18 : memref<1x125xi32, #tpu.memory_space<vmem>> -> memref<125xi32, #tpu.memory_space<vmem>>
      %dma_start3A_20 = arith.constant 0 : i32
      %dma_start3A_21 = arith.constant 0 : i32
      %dma_start3A_22 = tpu.memref_slice %arg2[%dma_start3A_20, %dma_start3A_21] : memref<10000x128xf32, #tpu.memory_space<hbm>> -> memref<10000x128xf32, #tpu.memory_space<hbm>>
      tpu.enqueue_indirect_dma source(%dma_start3A_22 : memref<10000x128xf32, #tpu.memory_space<hbm>>) target(%arg8 : memref<125x128xf32, #tpu.memory_space<vmem>>) offsets(%dma_start3A_19 : memref<125xi32, #tpu.memory_space<vmem>>) semaphore(%arg11 : memref<!tpu.dma_semaphore, #tpu.memory_space<semaphore_mem>>)
      %dma_start3A_23 = arith.constant 1 : i32
      %dma_start3A_24 = arith.constant 0 : i32
      %dma_start3A_25 = tpu.memref_slice %arg6[%dma_start3A_23, %dma_start3A_24] : memref<40x125xi32, #tpu.memory_space<vmem>> -> memref<1x125xi32, #tpu.memory_space<vmem>>
      %dma_start3A_26 = tpu.memref_squeeze %dma_start3A_25 : memref<1x125xi32, #tpu.memory_space<vmem>> -> memref<125xi32, #tpu.memory_space<vmem>>
      %dma_start3A_27 = arith.constant 0 : i32
      %dma_start3A_28 = arith.constant 0 : i32
      %dma_start3A_29 = tpu.memref_slice %arg2[%dma_start3A_27, %dma_start3A_28] : memref<10000x128xf32, #tpu.memory_space<hbm>> -> memref<10000x128xf32, #tpu.memory_space<hbm>>
      tpu.enqueue_indirect_dma source(%dma_start3A_29 : memref<10000x128xf32, #tpu.memory_space<hbm>>) target(%arg9 : memref<125x128xf32, #tpu.memory_space<vmem>>) offsets(%dma_start3A_26 : memref<125xi32, #tpu.memory_space<vmem>>) semaphore(%arg12 : memref<!tpu.dma_semaphore, #tpu.memory_space<semaphore_mem>>)
      %scan3A_30 = arith.constant 0 : i32
      %scan3A_31 = arith.constant 0 : i32
      %scan3A_32 = arith.constant 19 : i32
      %scan3A_33 = arith.addi %scan3A_31, %scan3A_32 : i32
      %scan3A_34 = arith.constant 1 : i32
      scf.for %scan3A_51 = %scan3A_31 to %scan3A_33 step %scan3A_34  : i32 {
        %mul3A_52 = arith.constant 2 : i32
        %mul3A_53 = arith.muli %mul3A_52, %scan3A_51 : i32
        %add3A_54 = arith.constant 0 : i32
        %add3A_55 = arith.addi %mul3A_53, %add3A_54 : i32
        %dma_wait3A_56 = arith.constant 0 : i32
        %dma_wait3A_57 = tpu.memref_slice %arg6[%add3A_55, %dma_wait3A_56] : memref<40x125xi32, #tpu.memory_space<vmem>> -> memref<1x125xi32, #tpu.memory_space<vmem>>
        %dma_wait3A_58 = tpu.memref_squeeze %dma_wait3A_57 : memref<1x125xi32, #tpu.memory_space<vmem>> -> memref<125xi32, #tpu.memory_space<vmem>>
        %dma_wait3A_59 = arith.constant 0 : i32
        %dma_wait3A_60 = arith.constant 0 : i32
        %dma_wait3A_61 = tpu.memref_slice %arg2[%dma_wait3A_59, %dma_wait3A_60] : memref<10000x128xf32, #tpu.memory_space<hbm>> -> memref<10000x128xf32, #tpu.memory_space<hbm>>
        tpu.wait_indirect_dma semaphore(%arg11 : memref<!tpu.dma_semaphore, #tpu.memory_space<semaphore_mem>>) src(%dma_wait3A_61 : memref<10000x128xf32, #tpu.memory_space<hbm>>) dst(%arg8 : memref<125x128xf32, #tpu.memory_space<vmem>>)
        %add3A_62 = arith.constant 0 : i32
        %add3A_63 = arith.addi %mul3A_53, %add3A_62 : i32
        "tpu.region"() ({
          %run_scoped3A_94 = tpu.sem_alloc : memref<!tpu.dma_semaphore, #tpu.memory_space<semaphore_mem>>
          %dma_start3A_95 = arith.constant 0 : i32
          %dma_start3A_96 = tpu.memref_slice %arg7[%add3A_63, %dma_start3A_95] : memref<40x125xi32, #tpu.memory_space<vmem>> -> memref<1x125xi32, #tpu.memory_space<vmem>>
          %dma_start3A_97 = tpu.memref_squeeze %dma_start3A_96 : memref<1x125xi32, #tpu.memory_space<vmem>> -> memref<125xi32, #tpu.memory_space<vmem>>
          %dma_start3A_98 = arith.constant 0 : i32
          %dma_start3A_99 = arith.constant 0 : i32
          %dma_start3A_100 = tpu.memref_slice %arg10[%dma_start3A_98, %dma_start3A_99] : memref<10000x128xf32, #tpu.memory_space<vmem_shared>> -> memref<10000x128xf32, #tpu.memory_space<vmem_shared>>
          tpu.enqueue_indirect_dma source(%arg8 : memref<125x128xf32, #tpu.memory_space<vmem>>) target(%dma_start3A_100 : memref<10000x128xf32, #tpu.memory_space<vmem_shared>>) offsets(%dma_start3A_97 : memref<125xi32, #tpu.memory_space<vmem>>) semaphore(%run_scoped3A_94 : memref<!tpu.dma_semaphore, #tpu.memory_space<semaphore_mem>>) {add = true}
          %dma_wait3A_101 = arith.constant 0 : i32
          %dma_wait3A_102 = tpu.memref_slice %arg7[%add3A_63, %dma_wait3A_101] : memref<40x125xi32, #tpu.memory_space<vmem>> -> memref<1x125xi32, #tpu.memory_space<vmem>>
          %dma_wait3A_103 = tpu.memref_squeeze %dma_wait3A_102 : memref<1x125xi32, #tpu.memory_space<vmem>> -> memref<125xi32, #tpu.memory_space<vmem>>
          %dma_wait3A_104 = arith.constant 0 : i32
          %dma_wait3A_105 = arith.constant 0 : i32
          %dma_wait3A_106 = tpu.memref_slice %arg10[%dma_wait3A_104, %dma_wait3A_105] : memref<10000x128xf32, #tpu.memory_space<vmem_shared>> -> memref<10000x128xf32, #tpu.memory_space<vmem_shared>>
          tpu.wait_indirect_dma semaphore(%run_scoped3A_94 : memref<!tpu.dma_semaphore, #tpu.memory_space<semaphore_mem>>) src(%arg8 : memref<125x128xf32, #tpu.memory_space<vmem>>) dst(%dma_wait3A_106 : memref<10000x128xf32, #tpu.memory_space<vmem_shared>>)
          tpu.yield
        }) : () -> ()
        %add3A_64 = arith.constant 0 : i32
        %add3A_65 = arith.addi %mul3A_53, %add3A_64 : i32
        %add3A_66 = arith.constant 2 : i32
        %add3A_67 = arith.addi %add3A_65, %add3A_66 : i32
        %dma_start3A_68 = arith.constant 0 : i32
        %dma_start3A_69 = tpu.memref_slice %arg6[%add3A_67, %dma_start3A_68] : memref<40x125xi32, #tpu.memory_space<vmem>> -> memref<1x125xi32, #tpu.memory_space<vmem>>
        %dma_start3A_70 = tpu.memref_squeeze %dma_start3A_69 : memref<1x125xi32, #tpu.memory_space<vmem>> -> memref<125xi32, #tpu.memory_space<vmem>>
        %dma_start3A_71 = arith.constant 0 : i32
        %dma_start3A_72 = arith.constant 0 : i32
        %dma_start3A_73 = tpu.memref_slice %arg2[%dma_start3A_71, %dma_start3A_72] : memref<10000x128xf32, #tpu.memory_space<hbm>> -> memref<10000x128xf32, #tpu.memory_space<hbm>>
        tpu.enqueue_indirect_dma source(%dma_start3A_73 : memref<10000x128xf32, #tpu.memory_space<hbm>>) target(%arg8 : memref<125x128xf32, #tpu.memory_space<vmem>>) offsets(%dma_start3A_70 : memref<125xi32, #tpu.memory_space<vmem>>) semaphore(%arg11 : memref<!tpu.dma_semaphore, #tpu.memory_space<semaphore_mem>>)
        %add3A_74 = arith.constant 1 : i32
        %add3A_75 = arith.addi %mul3A_53, %add3A_74 : i32
        %dma_wait3A_76 = arith.constant 0 : i32
        %dma_wait3A_77 = tpu.memref_slice %arg6[%add3A_75, %dma_wait3A_76] : memref<40x125xi32, #tpu.memory_space<vmem>> -> memref<1x125xi32, #tpu.memory_space<vmem>>
        %dma_wait3A_78 = tpu.memref_squeeze %dma_wait3A_77 : memref<1x125xi32, #tpu.memory_space<vmem>> -> memref<125xi32, #tpu.memory_space<vmem>>
        %dma_wait3A_79 = arith.constant 0 : i32
        %dma_wait3A_80 = arith.constant 0 : i32
        %dma_wait3A_81 = tpu.memref_slice %arg2[%dma_wait3A_79, %dma_wait3A_80] : memref<10000x128xf32, #tpu.memory_space<hbm>> -> memref<10000x128xf32, #tpu.memory_space<hbm>>
        tpu.wait_indirect_dma semaphore(%arg12 : memref<!tpu.dma_semaphore, #tpu.memory_space<semaphore_mem>>) src(%dma_wait3A_81 : memref<10000x128xf32, #tpu.memory_space<hbm>>) dst(%arg9 : memref<125x128xf32, #tpu.memory_space<vmem>>)
        %add3A_82 = arith.constant 1 : i32
        %add3A_83 = arith.addi %mul3A_53, %add3A_82 : i32
        "tpu.region"() ({
          %run_scoped3A_94 = tpu.sem_alloc : memref<!tpu.dma_semaphore, #tpu.memory_space<semaphore_mem>>
          %dma_start3A_95 = arith.constant 0 : i32
          %dma_start3A_96 = tpu.memref_slice %arg7[%add3A_83, %dma_start3A_95] : memref<40x125xi32, #tpu.memory_space<vmem>> -> memref<1x125xi32, #tpu.memory_space<vmem>>
          %dma_start3A_97 = tpu.memref_squeeze %dma_start3A_96 : memref<1x125xi32, #tpu.memory_space<vmem>> -> memref<125xi32, #tpu.memory_space<vmem>>
          %dma_start3A_98 = arith.constant 0 : i32
          %dma_start3A_99 = arith.constant 0 : i32
          %dma_start3A_100 = tpu.memref_slice %arg10[%dma_start3A_98, %dma_start3A_99] : memref<10000x128xf32, #tpu.memory_space<vmem_shared>> -> memref<10000x128xf32, #tpu.memory_space<vmem_shared>>
          tpu.enqueue_indirect_dma source(%arg9 : memref<125x128xf32, #tpu.memory_space<vmem>>) target(%dma_start3A_100 : memref<10000x128xf32, #tpu.memory_space<vmem_shared>>) offsets(%dma_start3A_97 : memref<125xi32, #tpu.memory_space<vmem>>) semaphore(%run_scoped3A_94 : memref<!tpu.dma_semaphore, #tpu.memory_space<semaphore_mem>>) {add = true}
          %dma_wait3A_101 = arith.constant 0 : i32
          %dma_wait3A_102 = tpu.memref_slice %arg7[%add3A_83, %dma_wait3A_101] : memref<40x125xi32, #tpu.memory_space<vmem>> -> memref<1x125xi32, #tpu.memory_space<vmem>>
          %dma_wait3A_103 = tpu.memref_squeeze %dma_wait3A_102 : memref<1x125xi32, #tpu.memory_space<vmem>> -> memref<125xi32, #tpu.memory_space<vmem>>
          %dma_wait3A_104 = arith.constant 0 : i32
          %dma_wait3A_105 = arith.constant 0 : i32
          %dma_wait3A_106 = tpu.memref_slice %arg10[%dma_wait3A_104, %dma_wait3A_105] : memref<10000x128xf32, #tpu.memory_space<vmem_shared>> -> memref<10000x128xf32, #tpu.memory_space<vmem_shared>>
          tpu.wait_indirect_dma semaphore(%run_scoped3A_94 : memref<!tpu.dma_semaphore, #tpu.memory_space<semaphore_mem>>) src(%arg9 : memref<125x128xf32, #tpu.memory_space<vmem>>) dst(%dma_wait3A_106 : memref<10000x128xf32, #tpu.memory_space<vmem_shared>>)
          tpu.yield
        }) : () -> ()
        %add3A_84 = arith.constant 1 : i32
        %add3A_85 = arith.addi %mul3A_53, %add3A_84 : i32
        %add3A_86 = arith.constant 2 : i32
        %add3A_87 = arith.addi %add3A_85, %add3A_86 : i32
        %dma_start3A_88 = arith.constant 0 : i32
        %dma_start3A_89 = tpu.memref_slice %arg6[%add3A_87, %dma_start3A_88] : memref<40x125xi32, #tpu.memory_space<vmem>> -> memref<1x125xi32, #tpu.memory_space<vmem>>
        %dma_start3A_90 = tpu.memref_squeeze %dma_start3A_89 : memref<1x125xi32, #tpu.memory_space<vmem>> -> memref<125xi32, #tpu.memory_space<vmem>>
        %dma_start3A_91 = arith.constant 0 : i32
        %dma_start3A_92 = arith.constant 0 : i32
        %dma_start3A_93 = tpu.memref_slice %arg2[%dma_start3A_91, %dma_start3A_92] : memref<10000x128xf32, #tpu.memory_space<hbm>> -> memref<10000x128xf32, #tpu.memory_space<hbm>>
        tpu.enqueue_indirect_dma source(%dma_start3A_93 : memref<10000x128xf32, #tpu.memory_space<hbm>>) target(%arg9 : memref<125x128xf32, #tpu.memory_space<vmem>>) offsets(%dma_start3A_90 : memref<125xi32, #tpu.memory_space<vmem>>) semaphore(%arg12 : memref<!tpu.dma_semaphore, #tpu.memory_space<semaphore_mem>>)
      }
      %scan3A_35 = arith.constant 19 : i32
      %dma_wait3A = arith.constant 38 : i32
      %dma_wait3A_36 = arith.constant 0 : i32
      %dma_wait3A_37 = tpu.memref_slice %arg6[%dma_wait3A, %dma_wait3A_36] : memref<40x125xi32, #tpu.memory_space<vmem>> -> memref<1x125xi32, #tpu.memory_space<vmem>>
      %dma_wait3A_38 = tpu.memref_squeeze %dma_wait3A_37 : memref<1x125xi32, #tpu.memory_space<vmem>> -> memref<125xi32, #tpu.memory_space<vmem>>
      %dma_wait3A_39 = arith.constant 0 : i32
      %dma_wait3A_40 = arith.constant 0 : i32
      %dma_wait3A_41 = tpu.memref_slice %arg2[%dma_wait3A_39, %dma_wait3A_40] : memref<10000x128xf32, #tpu.memory_space<hbm>> -> memref<10000x128xf32, #tpu.memory_space<hbm>>
      tpu.wait_indirect_dma semaphore(%arg11 : memref<!tpu.dma_semaphore, #tpu.memory_space<semaphore_mem>>) src(%dma_wait3A_41 : memref<10000x128xf32, #tpu.memory_space<hbm>>) dst(%arg8 : memref<125x128xf32, #tpu.memory_space<vmem>>)
      %run_scoped3A_42 = arith.constant 38 : i32
      "tpu.region"() ({
        %run_scoped3A_51 = tpu.sem_alloc : memref<!tpu.dma_semaphore, #tpu.memory_space<semaphore_mem>>
        %dma_start3A_52 = arith.constant 0 : i32
        %dma_start3A_53 = tpu.memref_slice %arg7[%run_scoped3A_42, %dma_start3A_52] : memref<40x125xi32, #tpu.memory_space<vmem>> -> memref<1x125xi32, #tpu.memory_space<vmem>>
        %dma_start3A_54 = tpu.memref_squeeze %dma_start3A_53 : memref<1x125xi32, #tpu.memory_space<vmem>> -> memref<125xi32, #tpu.memory_space<vmem>>
        %dma_start3A_55 = arith.constant 0 : i32
        %dma_start3A_56 = arith.constant 0 : i32
        %dma_start3A_57 = tpu.memref_slice %arg10[%dma_start3A_55, %dma_start3A_56] : memref<10000x128xf32, #tpu.memory_space<vmem_shared>> -> memref<10000x128xf32, #tpu.memory_space<vmem_shared>>
        tpu.enqueue_indirect_dma source(%arg8 : memref<125x128xf32, #tpu.memory_space<vmem>>) target(%dma_start3A_57 : memref<10000x128xf32, #tpu.memory_space<vmem_shared>>) offsets(%dma_start3A_54 : memref<125xi32, #tpu.memory_space<vmem>>) semaphore(%run_scoped3A_51 : memref<!tpu.dma_semaphore, #tpu.memory_space<semaphore_mem>>) {add = true}
        %dma_wait3A_58 = arith.constant 0 : i32
        %dma_wait3A_59 = tpu.memref_slice %arg7[%run_scoped3A_42, %dma_wait3A_58] : memref<40x125xi32, #tpu.memory_space<vmem>> -> memref<1x125xi32, #tpu.memory_space<vmem>>
        %dma_wait3A_60 = tpu.memref_squeeze %dma_wait3A_59 : memref<1x125xi32, #tpu.memory_space<vmem>> -> memref<125xi32, #tpu.memory_space<vmem>>
        %dma_wait3A_61 = arith.constant 0 : i32
        %dma_wait3A_62 = arith.constant 0 : i32
        %dma_wait3A_63 = tpu.memref_slice %arg10[%dma_wait3A_61, %dma_wait3A_62] : memref<10000x128xf32, #tpu.memory_space<vmem_shared>> -> memref<10000x128xf32, #tpu.memory_space<vmem_shared>>
        tpu.wait_indirect_dma semaphore(%run_scoped3A_51 : memref<!tpu.dma_semaphore, #tpu.memory_space<semaphore_mem>>) src(%arg8 : memref<125x128xf32, #tpu.memory_space<vmem>>) dst(%dma_wait3A_63 : memref<10000x128xf32, #tpu.memory_space<vmem_shared>>)
        tpu.yield
      }) : () -> ()
      %dma_wait3A_43 = arith.constant 39 : i32
      %dma_wait3A_44 = arith.constant 0 : i32
      %dma_wait3A_45 = tpu.memref_slice %arg6[%dma_wait3A_43, %dma_wait3A_44] : memref<40x125xi32, #tpu.memory_space<vmem>> -> memref<1x125xi32, #tpu.memory_space<vmem>>
      %dma_wait3A_46 = tpu.memref_squeeze %dma_wait3A_45 : memref<1x125xi32, #tpu.memory_space<vmem>> -> memref<125xi32, #tpu.memory_space<vmem>>
      %dma_wait3A_47 = arith.constant 0 : i32
      %dma_wait3A_48 = arith.constant 0 : i32
      %dma_wait3A_49 = tpu.memref_slice %arg2[%dma_wait3A_47, %dma_wait3A_48] : memref<10000x128xf32, #tpu.memory_space<hbm>> -> memref<10000x128xf32, #tpu.memory_space<hbm>>
      tpu.wait_indirect_dma semaphore(%arg12 : memref<!tpu.dma_semaphore, #tpu.memory_space<semaphore_mem>>) src(%dma_wait3A_49 : memref<10000x128xf32, #tpu.memory_space<hbm>>) dst(%arg9 : memref<125x128xf32, #tpu.memory_space<vmem>>)
      %run_scoped3A_50 = arith.constant 39 : i32
      "tpu.region"() ({
        %run_scoped3A_51 = tpu.sem_alloc : memref<!tpu.dma_semaphore, #tpu.memory_space<semaphore_mem>>
        %dma_start3A_52 = arith.constant 0 : i32
        %dma_start3A_53 = tpu.memref_slice %arg7[%run_scoped3A_50, %dma_start3A_52] : memref<40x125xi32, #tpu.memory_space<vmem>> -> memref<1x125xi32, #tpu.memory_space<vmem>>
        %dma_start3A_54 = tpu.memref_squeeze %dma_start3A_53 : memref<1x125xi32, #tpu.memory_space<vmem>> -> memref<125xi32, #tpu.memory_space<vmem>>
        %dma_start3A_55 = arith.constant 0 : i32
        %dma_start3A_56 = arith.constant 0 : i32
        %dma_start3A_57 = tpu.memref_slice %arg10[%dma_start3A_55, %dma_start3A_56] : memref<10000x128xf32, #tpu.memory_space<vmem_shared>> -> memref<10000x128xf32, #tpu.memory_space<vmem_shared>>
        tpu.enqueue_indirect_dma source(%arg9 : memref<125x128xf32, #tpu.memory_space<vmem>>) target(%dma_start3A_57 : memref<10000x128xf32, #tpu.memory_space<vmem_shared>>) offsets(%dma_start3A_54 : memref<125xi32, #tpu.memory_space<vmem>>) semaphore(%run_scoped3A_51 : memref<!tpu.dma_semaphore, #tpu.memory_space<semaphore_mem>>) {add = true}
        %dma_wait3A_58 = arith.constant 0 : i32
        %dma_wait3A_59 = tpu.memref_slice %arg7[%run_scoped3A_50, %dma_wait3A_58] : memref<40x125xi32, #tpu.memory_space<vmem>> -> memref<1x125xi32, #tpu.memory_space<vmem>>
        %dma_wait3A_60 = tpu.memref_squeeze %dma_wait3A_59 : memref<1x125xi32, #tpu.memory_space<vmem>> -> memref<125xi32, #tpu.memory_space<vmem>>
        %dma_wait3A_61 = arith.constant 0 : i32
        %dma_wait3A_62 = arith.constant 0 : i32
        %dma_wait3A_63 = tpu.memref_slice %arg10[%dma_wait3A_61, %dma_wait3A_62] : memref<10000x128xf32, #tpu.memory_space<vmem_shared>> -> memref<10000x128xf32, #tpu.memory_space<vmem_shared>>
        tpu.wait_indirect_dma semaphore(%run_scoped3A_51 : memref<!tpu.dma_semaphore, #tpu.memory_space<semaphore_mem>>) src(%arg9 : memref<125x128xf32, #tpu.memory_space<vmem>>) dst(%dma_wait3A_63 : memref<10000x128xf32, #tpu.memory_space<vmem_shared>>)
        tpu.yield
      }) : () -> ()
    }
    %scan3A_7 = arith.constant 2 : i32
    %barrier3A_8 = arith.constant 0 : index
    tpu.barrier barrier_id(%barrier3A_8)
    %mul3A_9 = arith.constant 625 : i32
    %mul3A_10 = arith.muli %arg1, %mul3A_9 : i32
    "tpu.region"() ({
      %run_scoped3A = tpu.sem_alloc : memref<!tpu.dma_semaphore, #tpu.memory_space<semaphore_mem>>
      %dma_start3A = arith.constant 0 : i32
      %dma_start3A_11 = arith.constant 0 : i32
      %dma_start3A_12 = tpu.memref_slice %arg5[%arg0, %arg1, %dma_start3A, %dma_start3A_11] : memref<2x16x625x128xf32, #tpu.memory_space<hbm>> -> memref<1x1x625x128xf32, #tpu.memory_space<hbm>>
      %dma_start3A_13 = tpu.memref_squeeze %dma_start3A_12 : memref<1x1x625x128xf32, #tpu.memory_space<hbm>> -> memref<625x128xf32, #tpu.memory_space<hbm>>
      %dma_start3A_14 = arith.constant 0 : i32
      %dma_start3A_15 = tpu.memref_slice %arg10[%mul3A_10, %dma_start3A_14] : memref<10000x128xf32, #tpu.memory_space<vmem_shared>> -> memref<625x128xf32, #tpu.memory_space<vmem_shared>>
      tpu.enqueue_dma source(%dma_start3A_15 : memref<625x128xf32, #tpu.memory_space<vmem_shared>>) target(%dma_start3A_13 : memref<625x128xf32, #tpu.memory_space<hbm>>) target_semaphore(%run_scoped3A : memref<!tpu.dma_semaphore, #tpu.memory_space<semaphore_mem>>)
      %dma_wait3A = arith.constant 0 : i32
      %dma_wait3A_16 = arith.constant 0 : i32
      %dma_wait3A_17 = tpu.memref_slice %arg5[%arg0, %arg1, %dma_wait3A, %dma_wait3A_16] : memref<2x16x625x128xf32, #tpu.memory_space<hbm>> -> memref<1x1x625x128xf32, #tpu.memory_space<hbm>>
      %dma_wait3A_18 = tpu.memref_squeeze %dma_wait3A_17 : memref<1x1x625x128xf32, #tpu.memory_space<hbm>> -> memref<625x128xf32, #tpu.memory_space<hbm>>
      %dma_wait3A_19 = arith.constant 0 : i32
      %dma_wait3A_20 = tpu.memref_slice %arg10[%mul3A_10, %dma_wait3A_19] : memref<10000x128xf32, #tpu.memory_space<vmem_shared>> -> memref<625x128xf32, #tpu.memory_space<vmem_shared>>
      tpu.wait_dma2 semaphore(%run_scoped3A : memref<!tpu.dma_semaphore, #tpu.memory_space<semaphore_mem>>) src(%dma_wait3A_20 : memref<625x128xf32, #tpu.memory_space<vmem_shared>>) dst(%dma_wait3A_18 : memref<625x128xf32, #tpu.memory_space<hbm>>)
      tpu.yield
    }) : () -> ()
    return
  }
}

#map = affine_map<(d0, d1) -> (0, 0)>
#map1 = affine_map<(d0, d1) -> (0, 0, 0, 0)>
module attributes {stable_mosaic.version = 14 : i64} {
  func.func @k(%arg0: i32, %arg1: i32, %arg2: memref<10000x128xf32, #tpu.memory_space<hbm>>, %arg3: memref<2x32x80x125xi32, #tpu.memory_space<hbm>>, %arg4: memref<625x128xf32, #tpu.memory_space<hbm>>, %arg5: memref<2x16x625x128xf32, #tpu.memory_space<hbm>>, %arg6: memref<40x125xi32, #tpu.memory_space<vmem>>, %arg7: memref<40x125xi32, #tpu.memory_space<vmem>>, %arg8: memref<125x128xf32, #tpu.memory_space<vmem>>, %arg9: memref<125x128xf32, #tpu.memory_space<vmem>>, %arg10: memref<10000x128xf32, #tpu.memory_space<vmem_shared>>, %arg11: memref<!tpu.dma_semaphore, #tpu.memory_space<semaphore_mem>>, %arg12: memref<!tpu.dma_semaphore, #tpu.memory_space<semaphore_mem>>) attributes {dimension_semantics = [#tpu.dimension_semantics<core_parallel>, #tpu.dimension_semantics<subcore_parallel>], iteration_bounds = array<i64: 2, 16>, scalar_prefetch = 0 : i64, scratch_operands = 7 : i64, tpu.core_type = #tpu.core_type<sc_vector_subcore>, window_params = [{transform_indices = #map}, {transform_indices = #map1}, {transform_indices = #map}, {transform_indices = #map1}]} {
    %mul3A = arith.constant 2 : i32
    %mul3A_0 = arith.muli %arg1, %mul3A : i32
    %add3A = arith.addi %mul3A_0, %arg0 : i32
    %mul3A_1 = arith.constant 625 : i32
    %mul3A_2 = arith.muli %arg1, %mul3A_1 : i32
    "tpu.region"() ({
      %run_scoped3A = tpu.sem_alloc : memref<!tpu.dma_semaphore, #tpu.memory_space<semaphore_mem>>
      %dma_start3A = arith.constant 0 : i32
      %dma_start3A_11 = tpu.memref_slice %arg10[%mul3A_2, %dma_start3A] : memref<10000x128xf32, #tpu.memory_space<vmem_shared>> -> memref<625x128xf32, #tpu.memory_space<vmem_shared>>
      tpu.enqueue_dma source(%arg4 : memref<625x128xf32, #tpu.memory_space<hbm>>) target(%dma_start3A_11 : memref<625x128xf32, #tpu.memory_space<vmem_shared>>) target_semaphore(%run_scoped3A : memref<!tpu.dma_semaphore, #tpu.memory_space<semaphore_mem>>)
      %dma_wait3A = arith.constant 0 : i32
      %dma_wait3A_12 = tpu.memref_slice %arg10[%mul3A_2, %dma_wait3A] : memref<10000x128xf32, #tpu.memory_space<vmem_shared>> -> memref<625x128xf32, #tpu.memory_space<vmem_shared>>
      tpu.wait_dma2 semaphore(%run_scoped3A : memref<!tpu.dma_semaphore, #tpu.memory_space<semaphore_mem>>) src(%arg4 : memref<625x128xf32, #tpu.memory_space<hbm>>) dst(%dma_wait3A_12 : memref<625x128xf32, #tpu.memory_space<vmem_shared>>)
      tpu.yield
    }) : () -> ()
    %barrier3A = arith.constant 0 : index
    tpu.barrier barrier_id(%barrier3A)
    %scan3A = arith.constant 0 : i32
    %scan3A_3 = arith.constant 0 : i32
    %scan3A_4 = arith.constant 2 : i32
    %scan3A_5 = arith.addi %scan3A_3, %scan3A_4 : i32
    %scan3A_6 = arith.constant 1 : i32
    scf.for %scan3A_11 = %scan3A_3 to %scan3A_5 step %scan3A_6  : i32 {
      %mul3A_12 = arith.constant 40 : i32
      %mul3A_13 = arith.muli %scan3A_11, %mul3A_12 : i32
      %run_scoped3A = arith.constant 0 : i32
      "tpu.region"() ({
        %run_scoped3A_51 = tpu.sem_alloc : memref<!tpu.dma_semaphore, #tpu.memory_space<semaphore_mem>>
        %dma_start3A_52 = arith.constant 0 : i32
        %dma_start3A_53 = tpu.memref_slice %arg3[%run_scoped3A, %add3A, %mul3A_13, %dma_start3A_52] : memref<2x32x80x125xi32, #tpu.memory_space<hbm>> -> memref<1x1x40x125xi32, #tpu.memory_space<hbm>>
        %dma_start3A_54 = tpu.memref_squeeze %dma_start3A_53 : memref<1x1x40x125xi32, #tpu.memory_space<hbm>> -> memref<40x125xi32, #tpu.memory_space<hbm>>
        %dma_start3A_55 = arith.constant 0 : i32
        %dma_start3A_56 = tpu.memref_slice %arg3[%run_scoped3A, %add3A, %mul3A_13, %dma_start3A_55] : memref<2x32x80x125xi32, #tpu.memory_space<hbm>> -> memref<1x1x40x125xi32, #tpu.memory_space<hbm>>
        %dma_start3A_57 = tpu.memref_squeeze %dma_start3A_56 : memref<1x1x40x125xi32, #tpu.memory_space<hbm>> -> memref<40x125xi32, #tpu.memory_space<hbm>>
        tpu.enqueue_dma source(%dma_start3A_57 : memref<40x125xi32, #tpu.memory_space<hbm>>) target(%arg6 : memref<40x125xi32, #tpu.memory_space<vmem>>) target_semaphore(%run_scoped3A_51 : memref<!tpu.dma_semaphore, #tpu.memory_space<semaphore_mem>>)
        %dma_wait3A_58 = arith.constant 0 : i32
        %dma_wait3A_59 = tpu.memref_slice %arg3[%run_scoped3A, %add3A, %mul3A_13, %dma_wait3A_58] : memref<2x32x80x125xi32, #tpu.memory_space<hbm>> -> memref<1x1x40x125xi32, #tpu.memory_space<hbm>>
        %dma_wait3A_60 = tpu.memref_squeeze %dma_wait3A_59 : memref<1x1x40x125xi32, #tpu.memory_space<hbm>> -> memref<40x125xi32, #tpu.memory_space<hbm>>
        %dma_wait3A_61 = arith.constant 0 : i32
        %dma_wait3A_62 = tpu.memref_slice %arg3[%run_scoped3A, %add3A, %mul3A_13, %dma_wait3A_61] : memref<2x32x80x125xi32, #tpu.memory_space<hbm>> -> memref<1x1x40x125xi32, #tpu.memory_space<hbm>>
        %dma_wait3A_63 = tpu.memref_squeeze %dma_wait3A_62 : memref<1x1x40x125xi32, #tpu.memory_space<hbm>> -> memref<40x125xi32, #tpu.memory_space<hbm>>
        tpu.wait_dma2 semaphore(%run_scoped3A_51 : memref<!tpu.dma_semaphore, #tpu.memory_space<semaphore_mem>>) src(%dma_wait3A_63 : memref<40x125xi32, #tpu.memory_space<hbm>>) dst(%arg6 : memref<40x125xi32, #tpu.memory_space<vmem>>)
        tpu.yield
      }) : () -> ()
      %mul3A_14 = arith.constant 40 : i32
      %mul3A_15 = arith.muli %scan3A_11, %mul3A_14 : i32
      %run_scoped3A_16 = arith.constant 1 : i32
      "tpu.region"() ({
        %run_scoped3A_51 = tpu.sem_alloc : memref<!tpu.dma_semaphore, #tpu.memory_space<semaphore_mem>>
        %dma_start3A_52 = arith.constant 0 : i32
        %dma_start3A_53 = tpu.memref_slice %arg3[%run_scoped3A_16, %add3A, %mul3A_15, %dma_start3A_52] : memref<2x32x80x125xi32, #tpu.memory_space<hbm>> -> memref<1x1x40x125xi32, #tpu.memory_space<hbm>>
        %dma_start3A_54 = tpu.memref_squeeze %dma_start3A_53 : memref<1x1x40x125xi32, #tpu.memory_space<hbm>> -> memref<40x125xi32, #tpu.memory_space<hbm>>
        %dma_start3A_55 = arith.constant 0 : i32
        %dma_start3A_56 = tpu.memref_slice %arg3[%run_scoped3A_16, %add3A, %mul3A_15, %dma_start3A_55] : memref<2x32x80x125xi32, #tpu.memory_space<hbm>> -> memref<1x1x40x125xi32, #tpu.memory_space<hbm>>
        %dma_start3A_57 = tpu.memref_squeeze %dma_start3A_56 : memref<1x1x40x125xi32, #tpu.memory_space<hbm>> -> memref<40x125xi32, #tpu.memory_space<hbm>>
        tpu.enqueue_dma source(%dma_start3A_57 : memref<40x125xi32, #tpu.memory_space<hbm>>) target(%arg7 : memref<40x125xi32, #tpu.memory_space<vmem>>) target_semaphore(%run_scoped3A_51 : memref<!tpu.dma_semaphore, #tpu.memory_space<semaphore_mem>>)
        %dma_wait3A_58 = arith.constant 0 : i32
        %dma_wait3A_59 = tpu.memref_slice %arg3[%run_scoped3A_16, %add3A, %mul3A_15, %dma_wait3A_58] : memref<2x32x80x125xi32, #tpu.memory_space<hbm>> -> memref<1x1x40x125xi32, #tpu.memory_space<hbm>>
        %dma_wait3A_60 = tpu.memref_squeeze %dma_wait3A_59 : memref<1x1x40x125xi32, #tpu.memory_space<hbm>> -> memref<40x125xi32, #tpu.memory_space<hbm>>
        %dma_wait3A_61 = arith.constant 0 : i32
        %dma_wait3A_62 = tpu.memref_slice %arg3[%run_scoped3A_16, %add3A, %mul3A_15, %dma_wait3A_61] : memref<2x32x80x125xi32, #tpu.memory_space<hbm>> -> memref<1x1x40x125xi32, #tpu.memory_space<hbm>>
        %dma_wait3A_63 = tpu.memref_squeeze %dma_wait3A_62 : memref<1x1x40x125xi32, #tpu.memory_space<hbm>> -> memref<40x125xi32, #tpu.memory_space<hbm>>
        tpu.wait_dma2 semaphore(%run_scoped3A_51 : memref<!tpu.dma_semaphore, #tpu.memory_space<semaphore_mem>>) src(%dma_wait3A_63 : memref<40x125xi32, #tpu.memory_space<hbm>>) dst(%arg7 : memref<40x125xi32, #tpu.memory_space<vmem>>)
        tpu.yield
      }) : () -> ()
      %dma_start3A = arith.constant 0 : i32
      %dma_start3A_17 = arith.constant 0 : i32
      %dma_start3A_18 = tpu.memref_slice %arg6[%dma_start3A, %dma_start3A_17] : memref<40x125xi32, #tpu.memory_space<vmem>> -> memref<1x125xi32, #tpu.memory_space<vmem>>
      %dma_start3A_19 = tpu.memref_squeeze %dma_start3A_18 : memref<1x125xi32, #tpu.memory_space<vmem>> -> memref<125xi32, #tpu.memory_space<vmem>>
      %dma_start3A_20 = arith.constant 0 : i32
      %dma_start3A_21 = arith.constant 0 : i32
      %dma_start3A_22 = tpu.memref_slice %arg2[%dma_start3A_20, %dma_start3A_21] : memref<10000x128xf32, #tpu.memory_space<hbm>> -> memref<10000x128xf32, #tpu.memory_space<hbm>>
      tpu.enqueue_indirect_dma source(%dma_start3A_22 : memref<10000x128xf32, #tpu.memory_space<hbm>>) target(%arg8 : memref<125x128xf32, #tpu.memory_space<vmem>>) offsets(%dma_start3A_19 : memref<125xi32, #tpu.memory_space<vmem>>) semaphore(%arg11 : memref<!tpu.dma_semaphore, #tpu.memory_space<semaphore_mem>>)
      %dma_start3A_23 = arith.constant 1 : i32
      %dma_start3A_24 = arith.constant 0 : i32
      %dma_start3A_25 = tpu.memref_slice %arg6[%dma_start3A_23, %dma_start3A_24] : memref<40x125xi32, #tpu.memory_space<vmem>> -> memref<1x125xi32, #tpu.memory_space<vmem>>
      %dma_start3A_26 = tpu.memref_squeeze %dma_start3A_25 : memref<1x125xi32, #tpu.memory_space<vmem>> -> memref<125xi32, #tpu.memory_space<vmem>>
      %dma_start3A_27 = arith.constant 0 : i32
      %dma_start3A_28 = arith.constant 0 : i32
      %dma_start3A_29 = tpu.memref_slice %arg2[%dma_start3A_27, %dma_start3A_28] : memref<10000x128xf32, #tpu.memory_space<hbm>> -> memref<10000x128xf32, #tpu.memory_space<hbm>>
      tpu.enqueue_indirect_dma source(%dma_start3A_29 : memref<10000x128xf32, #tpu.memory_space<hbm>>) target(%arg9 : memref<125x128xf32, #tpu.memory_space<vmem>>) offsets(%dma_start3A_26 : memref<125xi32, #tpu.memory_space<vmem>>) semaphore(%arg12 : memref<!tpu.dma_semaphore, #tpu.memory_space<semaphore_mem>>)
      %scan3A_30 = arith.constant 0 : i32
      %scan3A_31 = arith.constant 0 : i32
      %scan3A_32 = arith.constant 19 : i32
      %scan3A_33 = arith.addi %scan3A_31, %scan3A_32 : i32
      %scan3A_34 = arith.constant 1 : i32
      scf.for %scan3A_51 = %scan3A_31 to %scan3A_33 step %scan3A_34  : i32 {
        %mul3A_52 = arith.constant 2 : i32
        %mul3A_53 = arith.muli %mul3A_52, %scan3A_51 : i32
        %add3A_54 = arith.constant 0 : i32
        %add3A_55 = arith.addi %mul3A_53, %add3A_54 : i32
        %dma_wait3A_56 = arith.constant 0 : i32
        %dma_wait3A_57 = tpu.memref_slice %arg6[%add3A_55, %dma_wait3A_56] : memref<40x125xi32, #tpu.memory_space<vmem>> -> memref<1x125xi32, #tpu.memory_space<vmem>>
        %dma_wait3A_58 = tpu.memref_squeeze %dma_wait3A_57 : memref<1x125xi32, #tpu.memory_space<vmem>> -> memref<125xi32, #tpu.memory_space<vmem>>
        %dma_wait3A_59 = arith.constant 0 : i32
        %dma_wait3A_60 = arith.constant 0 : i32
        %dma_wait3A_61 = tpu.memref_slice %arg2[%dma_wait3A_59, %dma_wait3A_60] : memref<10000x128xf32, #tpu.memory_space<hbm>> -> memref<10000x128xf32, #tpu.memory_space<hbm>>
        tpu.wait_indirect_dma semaphore(%arg11 : memref<!tpu.dma_semaphore, #tpu.memory_space<semaphore_mem>>) src(%dma_wait3A_61 : memref<10000x128xf32, #tpu.memory_space<hbm>>) dst(%arg8 : memref<125x128xf32, #tpu.memory_space<vmem>>)
        %add3A_62 = arith.constant 0 : i32
        %add3A_63 = arith.addi %mul3A_53, %add3A_62 : i32
        "tpu.region"() ({
          %run_scoped3A_94 = tpu.sem_alloc : memref<!tpu.dma_semaphore, #tpu.memory_space<semaphore_mem>>
          %dma_start3A_95 = arith.constant 0 : i32
          %dma_start3A_96 = tpu.memref_slice %arg7[%add3A_63, %dma_start3A_95] : memref<40x125xi32, #tpu.memory_space<vmem>> -> memref<1x125xi32, #tpu.memory_space<vmem>>
          %dma_start3A_97 = tpu.memref_squeeze %dma_start3A_96 : memref<1x125xi32, #tpu.memory_space<vmem>> -> memref<125xi32, #tpu.memory_space<vmem>>
          %dma_start3A_98 = arith.constant 0 : i32
          %dma_start3A_99 = arith.constant 0 : i32
          %dma_start3A_100 = tpu.memref_slice %arg10[%dma_start3A_98, %dma_start3A_99] : memref<10000x128xf32, #tpu.memory_space<vmem_shared>> -> memref<10000x128xf32, #tpu.memory_space<vmem_shared>>
          tpu.enqueue_indirect_dma source(%arg8 : memref<125x128xf32, #tpu.memory_space<vmem>>) target(%dma_start3A_100 : memref<10000x128xf32, #tpu.memory_space<vmem_shared>>) offsets(%dma_start3A_97 : memref<125xi32, #tpu.memory_space<vmem>>) semaphore(%run_scoped3A_94 : memref<!tpu.dma_semaphore, #tpu.memory_space<semaphore_mem>>) {add = true}
          %dma_wait3A_101 = arith.constant 0 : i32
          %dma_wait3A_102 = tpu.memref_slice %arg7[%add3A_63, %dma_wait3A_101] : memref<40x125xi32, #tpu.memory_space<vmem>> -> memref<1x125xi32, #tpu.memory_space<vmem>>
          %dma_wait3A_103 = tpu.memref_squeeze %dma_wait3A_102 : memref<1x125xi32, #tpu.memory_space<vmem>> -> memref<125xi32, #tpu.memory_space<vmem>>
          %dma_wait3A_104 = arith.constant 0 : i32
          %dma_wait3A_105 = arith.constant 0 : i32
          %dma_wait3A_106 = tpu.memref_slice %arg10[%dma_wait3A_104, %dma_wait3A_105] : memref<10000x128xf32, #tpu.memory_space<vmem_shared>> -> memref<10000x128xf32, #tpu.memory_space<vmem_shared>>
          tpu.wait_indirect_dma semaphore(%run_scoped3A_94 : memref<!tpu.dma_semaphore, #tpu.memory_space<semaphore_mem>>) src(%arg8 : memref<125x128xf32, #tpu.memory_space<vmem>>) dst(%dma_wait3A_106 : memref<10000x128xf32, #tpu.memory_space<vmem_shared>>)
          tpu.yield
        }) : () -> ()
        %add3A_64 = arith.constant 0 : i32
        %add3A_65 = arith.addi %mul3A_53, %add3A_64 : i32
        %add3A_66 = arith.constant 2 : i32
        %add3A_67 = arith.addi %add3A_65, %add3A_66 : i32
        %dma_start3A_68 = arith.constant 0 : i32
        %dma_start3A_69 = tpu.memref_slice %arg6[%add3A_67, %dma_start3A_68] : memref<40x125xi32, #tpu.memory_space<vmem>> -> memref<1x125xi32, #tpu.memory_space<vmem>>
        %dma_start3A_70 = tpu.memref_squeeze %dma_start3A_69 : memref<1x125xi32, #tpu.memory_space<vmem>> -> memref<125xi32, #tpu.memory_space<vmem>>
        %dma_start3A_71 = arith.constant 0 : i32
        %dma_start3A_72 = arith.constant 0 : i32
        %dma_start3A_73 = tpu.memref_slice %arg2[%dma_start3A_71, %dma_start3A_72] : memref<10000x128xf32, #tpu.memory_space<hbm>> -> memref<10000x128xf32, #tpu.memory_space<hbm>>
        tpu.enqueue_indirect_dma source(%dma_start3A_73 : memref<10000x128xf32, #tpu.memory_space<hbm>>) target(%arg8 : memref<125x128xf32, #tpu.memory_space<vmem>>) offsets(%dma_start3A_70 : memref<125xi32, #tpu.memory_space<vmem>>) semaphore(%arg11 : memref<!tpu.dma_semaphore, #tpu.memory_space<semaphore_mem>>)
        %add3A_74 = arith.constant 1 : i32
        %add3A_75 = arith.addi %mul3A_53, %add3A_74 : i32
        %dma_wait3A_76 = arith.constant 0 : i32
        %dma_wait3A_77 = tpu.memref_slice %arg6[%add3A_75, %dma_wait3A_76] : memref<40x125xi32, #tpu.memory_space<vmem>> -> memref<1x125xi32, #tpu.memory_space<vmem>>
        %dma_wait3A_78 = tpu.memref_squeeze %dma_wait3A_77 : memref<1x125xi32, #tpu.memory_space<vmem>> -> memref<125xi32, #tpu.memory_space<vmem>>
        %dma_wait3A_79 = arith.constant 0 : i32
        %dma_wait3A_80 = arith.constant 0 : i32
        %dma_wait3A_81 = tpu.memref_slice %arg2[%dma_wait3A_79, %dma_wait3A_80] : memref<10000x128xf32, #tpu.memory_space<hbm>> -> memref<10000x128xf32, #tpu.memory_space<hbm>>
        tpu.wait_indirect_dma semaphore(%arg12 : memref<!tpu.dma_semaphore, #tpu.memory_space<semaphore_mem>>) src(%dma_wait3A_81 : memref<10000x128xf32, #tpu.memory_space<hbm>>) dst(%arg9 : memref<125x128xf32, #tpu.memory_space<vmem>>)
        %add3A_82 = arith.constant 1 : i32
        %add3A_83 = arith.addi %mul3A_53, %add3A_82 : i32
        "tpu.region"() ({
          %run_scoped3A_94 = tpu.sem_alloc : memref<!tpu.dma_semaphore, #tpu.memory_space<semaphore_mem>>
          %dma_start3A_95 = arith.constant 0 : i32
          %dma_start3A_96 = tpu.memref_slice %arg7[%add3A_83, %dma_start3A_95] : memref<40x125xi32, #tpu.memory_space<vmem>> -> memref<1x125xi32, #tpu.memory_space<vmem>>
          %dma_start3A_97 = tpu.memref_squeeze %dma_start3A_96 : memref<1x125xi32, #tpu.memory_space<vmem>> -> memref<125xi32, #tpu.memory_space<vmem>>
          %dma_start3A_98 = arith.constant 0 : i32
          %dma_start3A_99 = arith.constant 0 : i32
          %dma_start3A_100 = tpu.memref_slice %arg10[%dma_start3A_98, %dma_start3A_99] : memref<10000x128xf32, #tpu.memory_space<vmem_shared>> -> memref<10000x128xf32, #tpu.memory_space<vmem_shared>>
          tpu.enqueue_indirect_dma source(%arg9 : memref<125x128xf32, #tpu.memory_space<vmem>>) target(%dma_start3A_100 : memref<10000x128xf32, #tpu.memory_space<vmem_shared>>) offsets(%dma_start3A_97 : memref<125xi32, #tpu.memory_space<vmem>>) semaphore(%run_scoped3A_94 : memref<!tpu.dma_semaphore, #tpu.memory_space<semaphore_mem>>) {add = true}
          %dma_wait3A_101 = arith.constant 0 : i32
          %dma_wait3A_102 = tpu.memref_slice %arg7[%add3A_83, %dma_wait3A_101] : memref<40x125xi32, #tpu.memory_space<vmem>> -> memref<1x125xi32, #tpu.memory_space<vmem>>
          %dma_wait3A_103 = tpu.memref_squeeze %dma_wait3A_102 : memref<1x125xi32, #tpu.memory_space<vmem>> -> memref<125xi32, #tpu.memory_space<vmem>>
          %dma_wait3A_104 = arith.constant 0 : i32
          %dma_wait3A_105 = arith.constant 0 : i32
          %dma_wait3A_106 = tpu.memref_slice %arg10[%dma_wait3A_104, %dma_wait3A_105] : memref<10000x128xf32, #tpu.memory_space<vmem_shared>> -> memref<10000x128xf32, #tpu.memory_space<vmem_shared>>
          tpu.wait_indirect_dma semaphore(%run_scoped3A_94 : memref<!tpu.dma_semaphore, #tpu.memory_space<semaphore_mem>>) src(%arg9 : memref<125x128xf32, #tpu.memory_space<vmem>>) dst(%dma_wait3A_106 : memref<10000x128xf32, #tpu.memory_space<vmem_shared>>)
          tpu.yield
        }) : () -> ()
        %add3A_84 = arith.constant 1 : i32
        %add3A_85 = arith.addi %mul3A_53, %add3A_84 : i32
        %add3A_86 = arith.constant 2 : i32
        %add3A_87 = arith.addi %add3A_85, %add3A_86 : i32
        %dma_start3A_88 = arith.constant 0 : i32
        %dma_start3A_89 = tpu.memref_slice %arg6[%add3A_87, %dma_start3A_88] : memref<40x125xi32, #tpu.memory_space<vmem>> -> memref<1x125xi32, #tpu.memory_space<vmem>>
        %dma_start3A_90 = tpu.memref_squeeze %dma_start3A_89 : memref<1x125xi32, #tpu.memory_space<vmem>> -> memref<125xi32, #tpu.memory_space<vmem>>
        %dma_start3A_91 = arith.constant 0 : i32
        %dma_start3A_92 = arith.constant 0 : i32
        %dma_start3A_93 = tpu.memref_slice %arg2[%dma_start3A_91, %dma_start3A_92] : memref<10000x128xf32, #tpu.memory_space<hbm>> -> memref<10000x128xf32, #tpu.memory_space<hbm>>
        tpu.enqueue_indirect_dma source(%dma_start3A_93 : memref<10000x128xf32, #tpu.memory_space<hbm>>) target(%arg9 : memref<125x128xf32, #tpu.memory_space<vmem>>) offsets(%dma_start3A_90 : memref<125xi32, #tpu.memory_space<vmem>>) semaphore(%arg12 : memref<!tpu.dma_semaphore, #tpu.memory_space<semaphore_mem>>)
      }
      %scan3A_35 = arith.constant 19 : i32
      %dma_wait3A = arith.constant 38 : i32
      %dma_wait3A_36 = arith.constant 0 : i32
      %dma_wait3A_37 = tpu.memref_slice %arg6[%dma_wait3A, %dma_wait3A_36] : memref<40x125xi32, #tpu.memory_space<vmem>> -> memref<1x125xi32, #tpu.memory_space<vmem>>
      %dma_wait3A_38 = tpu.memref_squeeze %dma_wait3A_37 : memref<1x125xi32, #tpu.memory_space<vmem>> -> memref<125xi32, #tpu.memory_space<vmem>>
      %dma_wait3A_39 = arith.constant 0 : i32
      %dma_wait3A_40 = arith.constant 0 : i32
      %dma_wait3A_41 = tpu.memref_slice %arg2[%dma_wait3A_39, %dma_wait3A_40] : memref<10000x128xf32, #tpu.memory_space<hbm>> -> memref<10000x128xf32, #tpu.memory_space<hbm>>
      tpu.wait_indirect_dma semaphore(%arg11 : memref<!tpu.dma_semaphore, #tpu.memory_space<semaphore_mem>>) src(%dma_wait3A_41 : memref<10000x128xf32, #tpu.memory_space<hbm>>) dst(%arg8 : memref<125x128xf32, #tpu.memory_space<vmem>>)
      %run_scoped3A_42 = arith.constant 38 : i32
      "tpu.region"() ({
        %run_scoped3A_51 = tpu.sem_alloc : memref<!tpu.dma_semaphore, #tpu.memory_space<semaphore_mem>>
        %dma_start3A_52 = arith.constant 0 : i32
        %dma_start3A_53 = tpu.memref_slice %arg7[%run_scoped3A_42, %dma_start3A_52] : memref<40x125xi32, #tpu.memory_space<vmem>> -> memref<1x125xi32, #tpu.memory_space<vmem>>
        %dma_start3A_54 = tpu.memref_squeeze %dma_start3A_53 : memref<1x125xi32, #tpu.memory_space<vmem>> -> memref<125xi32, #tpu.memory_space<vmem>>
        %dma_start3A_55 = arith.constant 0 : i32
        %dma_start3A_56 = arith.constant 0 : i32
        %dma_start3A_57 = tpu.memref_slice %arg10[%dma_start3A_55, %dma_start3A_56] : memref<10000x128xf32, #tpu.memory_space<vmem_shared>> -> memref<10000x128xf32, #tpu.memory_space<vmem_shared>>
        tpu.enqueue_indirect_dma source(%arg8 : memref<125x128xf32, #tpu.memory_space<vmem>>) target(%dma_start3A_57 : memref<10000x128xf32, #tpu.memory_space<vmem_shared>>) offsets(%dma_start3A_54 : memref<125xi32, #tpu.memory_space<vmem>>) semaphore(%run_scoped3A_51 : memref<!tpu.dma_semaphore, #tpu.memory_space<semaphore_mem>>) {add = true}
        %dma_wait3A_58 = arith.constant 0 : i32
        %dma_wait3A_59 = tpu.memref_slice %arg7[%run_scoped3A_42, %dma_wait3A_58] : memref<40x125xi32, #tpu.memory_space<vmem>> -> memref<1x125xi32, #tpu.memory_space<vmem>>
        %dma_wait3A_60 = tpu.memref_squeeze %dma_wait3A_59 : memref<1x125xi32, #tpu.memory_space<vmem>> -> memref<125xi32, #tpu.memory_space<vmem>>
        %dma_wait3A_61 = arith.constant 0 : i32
        %dma_wait3A_62 = arith.constant 0 : i32
        %dma_wait3A_63 = tpu.memref_slice %arg10[%dma_wait3A_61, %dma_wait3A_62] : memref<10000x128xf32, #tpu.memory_space<vmem_shared>> -> memref<10000x128xf32, #tpu.memory_space<vmem_shared>>
        tpu.wait_indirect_dma semaphore(%run_scoped3A_51 : memref<!tpu.dma_semaphore, #tpu.memory_space<semaphore_mem>>) src(%arg8 : memref<125x128xf32, #tpu.memory_space<vmem>>) dst(%dma_wait3A_63 : memref<10000x128xf32, #tpu.memory_space<vmem_shared>>)
        tpu.yield
      }) : () -> ()
      %dma_wait3A_43 = arith.constant 39 : i32
      %dma_wait3A_44 = arith.constant 0 : i32
      %dma_wait3A_45 = tpu.memref_slice %arg6[%dma_wait3A_43, %dma_wait3A_44] : memref<40x125xi32, #tpu.memory_space<vmem>> -> memref<1x125xi32, #tpu.memory_space<vmem>>
      %dma_wait3A_46 = tpu.memref_squeeze %dma_wait3A_45 : memref<1x125xi32, #tpu.memory_space<vmem>> -> memref<125xi32, #tpu.memory_space<vmem>>
      %dma_wait3A_47 = arith.constant 0 : i32
      %dma_wait3A_48 = arith.constant 0 : i32
      %dma_wait3A_49 = tpu.memref_slice %arg2[%dma_wait3A_47, %dma_wait3A_48] : memref<10000x128xf32, #tpu.memory_space<hbm>> -> memref<10000x128xf32, #tpu.memory_space<hbm>>
      tpu.wait_indirect_dma semaphore(%arg12 : memref<!tpu.dma_semaphore, #tpu.memory_space<semaphore_mem>>) src(%dma_wait3A_49 : memref<10000x128xf32, #tpu.memory_space<hbm>>) dst(%arg9 : memref<125x128xf32, #tpu.memory_space<vmem>>)
      %run_scoped3A_50 = arith.constant 39 : i32
      "tpu.region"() ({
        %run_scoped3A_51 = tpu.sem_alloc : memref<!tpu.dma_semaphore, #tpu.memory_space<semaphore_mem>>
        %dma_start3A_52 = arith.constant 0 : i32
        %dma_start3A_53 = tpu.memref_slice %arg7[%run_scoped3A_50, %dma_start3A_52] : memref<40x125xi32, #tpu.memory_space<vmem>> -> memref<1x125xi32, #tpu.memory_space<vmem>>
        %dma_start3A_54 = tpu.memref_squeeze %dma_start3A_53 : memref<1x125xi32, #tpu.memory_space<vmem>> -> memref<125xi32, #tpu.memory_space<vmem>>
        %dma_start3A_55 = arith.constant 0 : i32
        %dma_start3A_56 = arith.constant 0 : i32
        %dma_start3A_57 = tpu.memref_slice %arg10[%dma_start3A_55, %dma_start3A_56] : memref<10000x128xf32, #tpu.memory_space<vmem_shared>> -> memref<10000x128xf32, #tpu.memory_space<vmem_shared>>
        tpu.enqueue_indirect_dma source(%arg9 : memref<125x128xf32, #tpu.memory_space<vmem>>) target(%dma_start3A_57 : memref<10000x128xf32, #tpu.memory_space<vmem_shared>>) offsets(%dma_start3A_54 : memref<125xi32, #tpu.memory_space<vmem>>) semaphore(%run_scoped3A_51 : memref<!tpu.dma_semaphore, #tpu.memory_space<semaphore_mem>>) {add = true}
        %dma_wait3A_58 = arith.constant 0 : i32
        %dma_wait3A_59 = tpu.memref_slice %arg7[%run_scoped3A_50, %dma_wait3A_58] : memref<40x125xi32, #tpu.memory_space<vmem>> -> memref<1x125xi32, #tpu.memory_space<vmem>>
        %dma_wait3A_60 = tpu.memref_squeeze %dma_wait3A_59 : memref<1x125xi32, #tpu.memory_space<vmem>> -> memref<125xi32, #tpu.memory_space<vmem>>
        %dma_wait3A_61 = arith.constant 0 : i32
        %dma_wait3A_62 = arith.constant 0 : i32
        %dma_wait3A_63 = tpu.memref_slice %arg10[%dma_wait3A_61, %dma_wait3A_62] : memref<10000x128xf32, #tpu.memory_space<vmem_shared>> -> memref<10000x128xf32, #tpu.memory_space<vmem_shared>>
        tpu.wait_indirect_dma semaphore(%run_scoped3A_51 : memref<!tpu.dma_semaphore, #tpu.memory_space<semaphore_mem>>) src(%arg9 : memref<125x128xf32, #tpu.memory_space<vmem>>) dst(%dma_wait3A_63 : memref<10000x128xf32, #tpu.memory_space<vmem_shared>>)
        tpu.yield
      }) : () -> ()
    }
    %scan3A_7 = arith.constant 2 : i32
    %barrier3A_8 = arith.constant 0 : index
    tpu.barrier barrier_id(%barrier3A_8)
    %mul3A_9 = arith.constant 625 : i32
    %mul3A_10 = arith.muli %arg1, %mul3A_9 : i32
    "tpu.region"() ({
      %run_scoped3A = tpu.sem_alloc : memref<!tpu.dma_semaphore, #tpu.memory_space<semaphore_mem>>
      %dma_start3A = arith.constant 0 : i32
      %dma_start3A_11 = arith.constant 0 : i32
      %dma_start3A_12 = tpu.memref_slice %arg5[%arg0, %arg1, %dma_start3A, %dma_start3A_11] : memref<2x16x625x128xf32, #tpu.memory_space<hbm>> -> memref<1x1x625x128xf32, #tpu.memory_space<hbm>>
      %dma_start3A_13 = tpu.memref_squeeze %dma_start3A_12 : memref<1x1x625x128xf32, #tpu.memory_space<hbm>> -> memref<625x128xf32, #tpu.memory_space<hbm>>
      %dma_start3A_14 = arith.constant 0 : i32
      %dma_start3A_15 = tpu.memref_slice %arg10[%mul3A_10, %dma_start3A_14] : memref<10000x128xf32, #tpu.memory_space<vmem_shared>> -> memref<625x128xf32, #tpu.memory_space<vmem_shared>>
      tpu.enqueue_dma source(%dma_start3A_15 : memref<625x128xf32, #tpu.memory_space<vmem_shared>>) target(%dma_start3A_13 : memref<625x128xf32, #tpu.memory_space<hbm>>) target_semaphore(%run_scoped3A : memref<!tpu.dma_semaphore, #tpu.memory_space<semaphore_mem>>)
      %dma_wait3A = arith.constant 0 : i32
      %dma_wait3A_16 = arith.constant 0 : i32
      %dma_wait3A_17 = tpu.memref_slice %arg5[%arg0, %arg1, %dma_wait3A, %dma_wait3A_16] : memref<2x16x625x128xf32, #tpu.memory_space<hbm>> -> memref<1x1x625x128xf32, #tpu.memory_space<hbm>>
      %dma_wait3A_18 = tpu.memref_squeeze %dma_wait3A_17 : memref<1x1x625x128xf32, #tpu.memory_space<hbm>> -> memref<625x128xf32, #tpu.memory_space<hbm>>
      %dma_wait3A_19 = arith.constant 0 : i32
      %dma_wait3A_20 = tpu.memref_slice %arg10[%mul3A_10, %dma_wait3A_19] : memref<10000x128xf32, #tpu.memory_space<vmem_shared>> -> memref<625x128xf32, #tpu.memory_space<vmem_shared>>
      tpu.wait_dma2 semaphore(%run_scoped3A : memref<!tpu.dma_semaphore, #tpu.memory_space<semaphore_mem>>) src(%dma_wait3A_20 : memref<625x128xf32, #tpu.memory_space<vmem_shared>>) dst(%dma_wait3A_18 : memref<625x128xf32, #tpu.memory_space<hbm>>)
      tpu.yield
    }) : () -> ()
    return
  }
}

module attributes {stable_mosaic.version = 14 : i64} {
  func.func @body(%arg0: i32, %arg1: memref<1000x128xf32, #tpu.memory_space<vmem>>, %arg2: memref<128x128xf32, #tpu.memory_space<vmem>>, %arg3: memref<1x128xf32, #tpu.memory_space<vmem>>, %arg4: memref<1000x128xf32, #tpu.memory_space<vmem>>) attributes {dimension_semantics = [#tpu.dimension_semantics<arbitrary>], iteration_bounds = array<i64: 10>, scalar_prefetch = 0 : i64, scratch_operands = 0 : i64, tpu.core_type = #tpu.core_type<tc>, window_params = [{transform_indices = @transform_0, window_bounds = array<i64: 1000, 128>}, {pipeline_mode = #tpu.pipeline_mode<synchronous>, transform_indices = @transform_1, window_bounds = array<i64: 128, 128>}, {pipeline_mode = #tpu.pipeline_mode<synchronous>, transform_indices = @transform_2, window_bounds = array<i64: 1, 128>}, {transform_indices = @transform_3, window_bounds = array<i64: 1000, 128>}]} {
    %get3A = arith.constant 0 : index
    %get3A_0 = arith.constant 0 : index
    %get3A_1 = vector.load %arg1[%get3A, %get3A_0] : memref<1000x128xf32, #tpu.memory_space<vmem>>, vector<1000x128xf32>
    %get3A_2 = arith.constant 0 : index
    %get3A_3 = arith.constant 0 : index
    %get3A_4 = vector.load %arg2[%get3A_2, %get3A_3] : memref<128x128xf32, #tpu.memory_space<vmem>>, vector<128x128xf32>
    %dot_general3A = arith.constant dense<0.000000e+00> : vector<1000x128xf32>
    %dot_general3A_5 = tpu.matmul %get3A_1, %get3A_4, %dot_general3A {dimension_numbers = #tpu.dot_dimension_numbers<[1], [1], [0], [0], [0, 0, 1, 0], [], []>, transpose_lhs_hint = false} : vector<1000x128xf32>, vector<128x128xf32>, vector<1000x128xf32> -> vector<1000x128xf32>
    %get3A_6 = arith.constant 0 : index
    %get3A_7 = arith.constant 0 : index
    %get3A_8 = vector.load %arg3[%get3A_6, %get3A_7] : memref<1x128xf32, #tpu.memory_space<vmem>>, vector<1x128xf32>
    %add3A = vector.broadcast %get3A_8 : vector<1x128xf32> to vector<1000x128xf32>
    %add3A_9 = arith.addf %dot_general3A_5, %add3A : vector<1000x128xf32>
    %mul3A = arith.constant 5.000000e-01 : f32
    %mul3A_10 = vector.broadcast %mul3A : f32 to vector<1000x128xf32>
    %mul3A_11 = arith.mulf %add3A_9, %mul3A_10 : vector<1000x128xf32>
    %swap3A = arith.constant 0 : index
    %swap3A_12 = arith.constant 0 : index
    %swap3A_13 = vector.load %arg4[%swap3A, %swap3A_12] : memref<1000x128xf32, #tpu.memory_space<vmem>>, vector<1000x128xf32>
    tpu.vector_store %arg4[%swap3A, %swap3A_12], %mul3A_11 {strides = array<i32>} : memref<1000x128xf32, #tpu.memory_space<vmem>>, vector<1000x128xf32>,
    return
  }
  func.func @transform_0(%arg0: i32) -> (i32, i32) {
    %c0_i32 = arith.constant 0 : i32
    %c0_i32_0 = arith.constant 0 : i32
    return %arg0, %c0_i32 : i32, i32
  }
  func.func @transform_1(%arg0: i32) -> (i32, i32) {
    %c0_i32 = arith.constant 0 : i32
    %c0_i32_0 = arith.constant 0 : i32
    %c0_i32_1 = arith.constant 0 : i32
    return %c0_i32, %c0_i32_0 : i32, i32
  }
  func.func @transform_2(%arg0: i32) -> (i32, i32) {
    %c0_i32 = arith.constant 0 : i32
    %c0_i32_0 = arith.constant 0 : i32
    %c0_i32_1 = arith.constant 0 : i32
    return %c0_i32, %c0_i32_0 : i32, i32
  }
  func.func @transform_3(%arg0: i32) -> (i32, i32) {
    %c0_i32 = arith.constant 0 : i32
    %c0_i32_0 = arith.constant 0 : i32
    return %arg0, %c0_i32 : i32, i32
  }
}

module attributes {stable_mosaic.version = 14 : i64} {
  func.func @body(%arg0: i32, %arg1: memref<1000x128xf32, #tpu.memory_space<vmem>>, %arg2: memref<2x1000x128xf32, #tpu.memory_space<vmem>>, %arg3: memref<128x128xf32, #tpu.memory_space<vmem>>, %arg4: memref<1x128xf32, #tpu.memory_space<vmem>>, %arg5: memref<1000x128xf32, #tpu.memory_space<vmem>>) attributes {dimension_semantics = [#tpu.dimension_semantics<arbitrary>], iteration_bounds = array<i64: 10>, scalar_prefetch = 0 : i64, scratch_operands = 0 : i64, tpu.core_type = #tpu.core_type<tc>, window_params = [{transform_indices = @transform_0, window_bounds = array<i64: 1000, 128>}, {transform_indices = @transform_1, window_bounds = array<i64: 2, 1000, 128>}, {pipeline_mode = #tpu.pipeline_mode<synchronous>, transform_indices = @transform_2, window_bounds = array<i64: 128, 128>}, {pipeline_mode = #tpu.pipeline_mode<synchronous>, transform_indices = @transform_3, window_bounds = array<i64: 1, 128>}, {transform_indices = @transform_4, window_bounds = array<i64: 1000, 128>}]} {
    %get3A = arith.constant 0 : index
    %get3A_0 = arith.constant 0 : index
    %get3A_1 = vector.load %arg1[%get3A, %get3A_0] : memref<1000x128xf32, #tpu.memory_space<vmem>>, vector<1000x128xf32>
    %get3A_2 = arith.constant 0 : index
    %get3A_3 = arith.constant 0 : index
    %get3A_4 = arith.constant 0 : index
    %get3A_5 = vector.load %arg2[%get3A_2, %get3A_3, %get3A_4] : memref<2x1000x128xf32, #tpu.memory_space<vmem>>, vector<2x1000x128xf32>
    %reduce_sum3A = arith.constant dense<0.000000e+00> : vector<1000x128xf32>
    %reduce_sum3A_6 = vector.multi_reduction <add>, %get3A_5, %reduce_sum3A [0] : vector<2x1000x128xf32> to vector<1000x128xf32>
    %add3A = arith.addf %get3A_1, %reduce_sum3A_6 : vector<1000x128xf32>
    %max3A = arith.constant 0.000000e+00 : f32
    %max3A_7 = vector.broadcast %max3A : f32 to vector<1000x128xf32>
    %max3A_8 = arith.maximumf %add3A, %max3A_7 : vector<1000x128xf32>
    %get3A_9 = arith.constant 0 : index
    %get3A_10 = arith.constant 0 : index
    %get3A_11 = vector.load %arg3[%get3A_9, %get3A_10] : memref<128x128xf32, #tpu.memory_space<vmem>>, vector<128x128xf32>
    %dot_general3A = arith.constant dense<0.000000e+00> : vector<1000x128xf32>
    %dot_general3A_12 = tpu.matmul %max3A_8, %get3A_11, %dot_general3A {dimension_numbers = #tpu.dot_dimension_numbers<[1], [1], [0], [0], [0, 0, 1, 0], [], []>, transpose_lhs_hint = false} : vector<1000x128xf32>, vector<128x128xf32>, vector<1000x128xf32> -> vector<1000x128xf32>
    %get3A_13 = arith.constant 0 : index
    %get3A_14 = arith.constant 0 : index
    %get3A_15 = vector.load %arg4[%get3A_13, %get3A_14] : memref<1x128xf32, #tpu.memory_space<vmem>>, vector<1x128xf32>
    %add3A_16 = vector.broadcast %get3A_15 : vector<1x128xf32> to vector<1000x128xf32>
    %add3A_17 = arith.addf %dot_general3A_12, %add3A_16 : vector<1000x128xf32>
    %mul3A = arith.constant 5.000000e-01 : f32
    %mul3A_18 = vector.broadcast %mul3A : f32 to vector<1000x128xf32>
    %mul3A_19 = arith.mulf %add3A_17, %mul3A_18 : vector<1000x128xf32>
    %swap3A = arith.constant 0 : index
    %swap3A_20 = arith.constant 0 : index
    %swap3A_21 = vector.load %arg5[%swap3A, %swap3A_20] : memref<1000x128xf32, #tpu.memory_space<vmem>>, vector<1000x128xf32>
    tpu.vector_store %arg5[%swap3A, %swap3A_20], %mul3A_19 {strides = array<i32>} : memref<1000x128xf32, #tpu.memory_space<vmem>>, vector<1000x128xf32>,
    return
  }
  func.func @transform_0(%arg0: i32) -> (i32, i32) {
    %c0_i32 = arith.constant 0 : i32
    %c0_i32_0 = arith.constant 0 : i32
    return %arg0, %c0_i32 : i32, i32
  }
  func.func @transform_1(%arg0: i32) -> (i32, i32, i32) {
    %c0_i32 = arith.constant 0 : i32
    %c0_i32_0 = arith.constant 0 : i32
    %c0_i32_1 = arith.constant 0 : i32
    return %c0_i32, %arg0, %c0_i32_0 : i32, i32, i32
  }
  func.func @transform_2(%arg0: i32) -> (i32, i32) {
    %c0_i32 = arith.constant 0 : i32
    %c0_i32_0 = arith.constant 0 : i32
    %c0_i32_1 = arith.constant 0 : i32
    return %c0_i32, %c0_i32_0 : i32, i32
  }
  func.func @transform_3(%arg0: i32) -> (i32, i32) {
    %c0_i32 = arith.constant 0 : i32
    %c0_i32_0 = arith.constant 0 : i32
    %c0_i32_1 = arith.constant 0 : i32
    return %c0_i32, %c0_i32_0 : i32, i32
  }
  func.func @transform_4(%arg0: i32) -> (i32, i32) {
    %c0_i32 = arith.constant 0 : i32
    %c0_i32_0 = arith.constant 0 : i32
    return %arg0, %c0_i32 : i32, i32
  }
}

module attributes {stable_mosaic.version = 14 : i64} {
  func.func @body(%arg0: i32, %arg1: memref<1000x128xf32, #tpu.memory_space<vmem>>, %arg2: memref<2x1000x128xf32, #tpu.memory_space<vmem>>, %arg3: memref<1000x128xf32, #tpu.memory_space<vmem>>) attributes {dimension_semantics = [#tpu.dimension_semantics<arbitrary>], iteration_bounds = array<i64: 10>, scalar_prefetch = 0 : i64, scratch_operands = 0 : i64, tpu.core_type = #tpu.core_type<tc>, window_params = [{transform_indices = @transform_0, window_bounds = array<i64: 1000, 128>}, {transform_indices = @transform_1, window_bounds = array<i64: 2, 1000, 128>}, {transform_indices = @transform_2, window_bounds = array<i64: 1000, 128>}]} {
    %get3A = arith.constant 0 : index
    %get3A_0 = arith.constant 0 : index
    %get3A_1 = vector.load %arg1[%get3A, %get3A_0] : memref<1000x128xf32, #tpu.memory_space<vmem>>, vector<1000x128xf32>
    %get3A_2 = arith.constant 0 : index
    %get3A_3 = arith.constant 0 : index
    %get3A_4 = arith.constant 0 : index
    %get3A_5 = vector.load %arg2[%get3A_2, %get3A_3, %get3A_4] : memref<2x1000x128xf32, #tpu.memory_space<vmem>>, vector<2x1000x128xf32>
    %reduce_sum3A = arith.constant dense<0.000000e+00> : vector<1000x128xf32>
    %reduce_sum3A_6 = vector.multi_reduction <add>, %get3A_5, %reduce_sum3A [0] : vector<2x1000x128xf32> to vector<1000x128xf32>
    %add3A = arith.addf %get3A_1, %reduce_sum3A_6 : vector<1000x128xf32>
    %swap3A = arith.constant 0 : index
    %swap3A_7 = arith.constant 0 : index
    %swap3A_8 = vector.load %arg3[%swap3A, %swap3A_7] : memref<1000x128xf32, #tpu.memory_space<vmem>>, vector<1000x128xf32>
    tpu.vector_store %arg3[%swap3A, %swap3A_7], %add3A {strides = array<i32>} : memref<1000x128xf32, #tpu.memory_space<vmem>>, vector<1000x128xf32>,
    return
  }
  func.func @transform_0(%arg0: i32) -> (i32, i32) {
    %c0_i32 = arith.constant 0 : i32
    %c0_i32_0 = arith.constant 0 : i32
    return %arg0, %c0_i32 : i32, i32
  }
  func.func @transform_1(%arg0: i32) -> (i32, i32, i32) {
    %c0_i32 = arith.constant 0 : i32
    %c0_i32_0 = arith.constant 0 : i32
    %c0_i32_1 = arith.constant 0 : i32
    return %c0_i32, %arg0, %c0_i32_0 : i32, i32, i32
  }
  func.func @transform_2(%arg0: i32) -> (i32, i32) {
    %c0_i32 = arith.constant 0 : i32
    %c0_i32_0 = arith.constant 0 : i32
    return %arg0, %c0_i32 : i32, i32
  }
}

</mosaic_0001>

<sc_bundles>
// kernel: kernel.10.cloned.1.call-start
scs
__scs_entry_jumppad:
0x0: {  	(pc) =	sbr.rel $0x88, $3  }
0x1: {  	(tag) =	ssettag $0x0;
	lr =	simm.s32 $0x1  }
0x2: {  	[smem:$0x3F9B] =	sst lr;
	_ =	strace $0xD0000000  }
0x3: {  	_ = 	snop  }
0x4: {  	_ = 	snop  }
0x5: {  	_ = 	snop  }
0x6: {  	_ = 	snop  }
0x7: {  	_ = 	snop  }
__scs_overlays_trampoline_lowered:
0x8: {  	[smem:$0x3FAA] =	sst s0  }
0x9: {  	[smem:$0x3FAB] =	sst s1  }
0xa: {  	[smem:$0x3FAC] =	sst s2  }
0xb: {  	[smem:$0x3FAD] =	sst s3  }
0xc: {  	[smem:$0x3FAE] =	sst s4  }
0xd: {  	[smem:$0x3FAF] =	sst s5  }
0xe: {  	[smem:$0x3FB0] =	sst s6  }
0xf: {  	[smem:$0x3FB1] =	sst s7  }
0x10: {  	[smem:$0x3FB2] =	sst s8  }
0x11: {  	[smem:$0x3FB3] =	sst s9;
	s0 =	simm.s32 @!p0 $0x0  }
0x12: {  	s1 =	sld [smem:$0x3F99];
	s0 =	simm.s32 @p0 $0x1  }
0x13: {  	[smem:$0x3FB4] =	sst s0;
	s0 =	simm.s32 @!p1 $0x0  }
0x14: {  	s2 =	sld [smem:$0x3F98];
	s0 =	simm.s32 @p1 $0x1  }
0x15: {  	[smem:$0x3FB5] =	sst s0;
	s0 =	simm.s32 @!p2 $0x0  }
0x16: {  	s3 =	sld [smem:$0x3FDB];
	s0 =	simm.s32 @p2 $0x1  }
0x17: {  	s4 =	simm.s32 $0x1BF5;
	[smem:$0x3FB7] =	sst s0  }
0x18: {  	s0 =	sld [smem:$0x3F9A];
	_ =	swait.ge [sflag:s4], $0x0  }
0x19: {  	s7 =	sld [smem:$0x3F9B]  }
0x1a: {  	s8 =	sadd.s32 $0xFFFFE003, lr  }
0x1b: {  	s9 =	sadd.s32 $0xFFFFFEF7, lr;
	s5 =	simm.s32 $0xFFFFFFFF;
	p2 =	slt.u32 s8, $0xFFFFF086  }
0x1c: {  	p1 =	slt.u32 s9, $0xF7A;
	s5 =	simm.s32 @!p2 $0x0  }
0x1d: {  	s5 =	simm.s32 @p1 $0x1;
	p0 =	seq.s32 s7, s2  }
0x1e: {  	s7 =	smul.u32 @!p0 $0xF7A, s2;
	p2 =	seq.s32 @!p0 s5, $0x0  }
0x1f: {  	s9 =	smul.u32 $0xF7A, s1;
	s8 =	simm.s32 @!p0 $0x1BF5;
	p2 =	por !p2, p0  }
0x20: {  	[sflag:s8] =	ssyncset.s32 @!p0 $0xFFFFF086;
	s6 =	sadd.s32 @!p0 s3, s7;
	s7 =	simm.s32 @!p0 $0x108  }
0x21: {  	s3 =	sadd.s32 s3, s9;
	s6 =	sadd.s32 @!p0 $0x88, s6;
	s7 =	simm.s32 @p2 $0x1082  }
0x22: {  	[simem:s7], [sflag:s8] =	dma.local @!p0 [hbm:s6], $0xF7A  }
0x23: {  	s9 =	sor.u32 $0xD0000000, s2;
	s6 =	simm.s32 $0x108;
	_ =	swait.ge @!p0 [sflag:s8], $0x0  }
0x24: {  	s3 =	sadd.s32 $0x88, s3;
	s6 =	simm.s32 @!p1 $0x1082;
	[sflag:s4] =	ssyncset.s32 $0xFFFFF086  }
0x25: {  	[simem:s6], [sflag:s4] =	dma.local [hbm:s3], $0xF7A  }
0x26: {  	[smem:$0x3F9B] =	sst s1;
	(tag) =	ssettag s2;
	_ =	strace s9  }
0x27: {  	s1 =	sld [smem:$0x3FAB]  }
0x28: {  	s2 =	sld [smem:$0x3FAC]  }
0x29: {  	s4 =	sld [smem:$0x3FAE]  }
0x2a: {  	p0 =	seq.s32 s5, $0x0;
	s5 =	sld [smem:$0x3FAF]  }
0x2b: {  	s6 =	sld [smem:$0x3FB0]  }
0x2c: {  	s7 =	sld [smem:$0x3FB1]  }
0x2d: {  	s3 =	simm.s32 $0x108;
	s8 =	sld [smem:$0x3FB2]  }
0x2e: {  	s3 =	simm.s32 @!p0 $0x1082;
	s9 =	sld [smem:$0x3FB3]  }
0x2f: {  	lr =	sadd.s32 s0, s3;
	s0 =	sld [smem:$0x3FAA]  }
0x30: {  	s3 =	sld [smem:$0x3FAD]  }
0x31: {  	[smem:$0x3FB6] =	sst s10  }
0x32: {  	s10 =	sld [smem:$0x3FB4];
	_ =	sdelay $0x3  }
0x33: {  	p0 =	seq.s32 s10, $0x1;
	s10 =	sld [smem:$0x3FB6];
	_ =	sdelay $0x3  }
0x34: {  	[smem:$0x3FB6] =	sst s10  }
0x35: {  	s10 =	sld [smem:$0x3FB5];
	_ =	sdelay $0x3  }
0x36: {  	p1 =	seq.s32 s10, $0x1;
	s10 =	sld [smem:$0x3FB6];
	_ =	sdelay $0x3  }
0x37: {  	[smem:$0x3FB6] =	sst s10  }
0x38: {  	s10 =	sld [smem:$0x3FB7]  }
0x39: {  	_ = 	snop;
	(pc) =	sbr.ind lr, $3  }
0x3a: {  	_ = 	snop  }
0x3b: {  	_ = 	snop  }
0x3c: {  	p2 =	seq.s32 s10, $0x1;
	s10 =	sld [smem:$0x3FB6]  }
0x3d: {  	_ =	shalt  }
0x3e: {  	_ =	shalt  }
0x3f: {  	_ =	shalt  }
0x40: {  	_ =	shalt  }
0x41: {  	_ =	shalt  }
0x42: {  	_ =	shalt  }
0x43: {  	_ =	shalt  }
0x44: {  	_ =	shalt  }
0x45: {  	_ =	shalt  }
0x46: {  	_ =	shalt  }
0x47: {  	_ =	shalt  }
0x48: {  	_ =	shalt  }
0x49: {  	_ =	shalt  }
0x4a: {  	_ =	shalt  }
0x4b: {  	_ =	shalt  }
0x4c: {  	_ =	shalt  }
0x4d: {  	_ =	shalt  }
0x4e: {  	_ =	shalt  }
0x4f: {  	_ =	shalt  }
0x50: {  	_ =	shalt  }
0x51: {  	_ =	shalt  }
0x52: {  	_ =	shalt  }
0x53: {  	_ =	shalt  }
0x54: {  	_ =	shalt  }
0x55: {  	_ =	shalt  }
0x56: {  	_ =	shalt  }
0x57: {  	_ =	shalt  }
0x58: {  	_ =	shalt  }
0x59: {  	_ =	shalt  }
0x5a: {  	_ =	shalt  }
0x5b: {  	_ =	shalt  }
0x5c: {  	_ =	shalt  }
0x5d: {  	_ =	shalt  }
0x5e: {  	_ =	shalt  }
0x5f: {  	_ =	shalt  }
0x60: {  	_ =	shalt  }
0x61: {  	_ =	shalt  }
0x62: {  	_ =	shalt  }
0x63: {  	_ =	shalt  }
0x64: {  	_ =	shalt  }
0x65: {  	_ =	shalt  }
0x66: {  	_ =	shalt  }
0x67: {  	_ =	shalt  }
0x68: {  	_ =	shalt  }
0x69: {  	_ =	shalt  }
0x6a: {  	_ =	shalt  }
0x6b: {  	_ =	shalt  }
0x6c: {  	_ =	shalt  }
0x6d: {  	_ =	shalt  }
0x6e: {  	_ =	shalt  }
0x6f: {  	_ =	shalt  }
0x70: {  	_ =	shalt  }
0x71: {  	_ =	shalt  }
0x72: {  	_ =	shalt  }
0x73: {  	_ =	shalt  }
0x74: {  	_ =	shalt  }
0x75: {  	_ =	shalt  }
0x76: {  	_ =	shalt  }
0x77: {  	_ =	shalt  }
0x78: {  	_ =	shalt  }
0x79: {  	_ =	shalt  }
0x7a: {  	_ =	shalt  }
0x7b: {  	_ =	shalt  }
0x7c: {  	_ =	shalt  }
0x7d: {  	_ =	shalt  }
0x7e: {  	_ =	shalt  }
0x7f: {  	_ =	shalt  }
0x80: {  	_ =	shalt  }
0x81: {  	_ =	shalt  }
0x82: {  	_ =	shalt  }
0x83: {  	_ =	shalt  }
0x84: {  	_ =	shalt  }
0x85: {  	_ =	shalt  }
0x86: {  	_ =	shalt  }
0x87: {  	_ =	shalt  }
.Lfunc_end0:
.L_simem_size_0:
called_computation.1_lowered:
.L_overlay_start_0:
0x88: {  	s2 =	sld [smem:$0x3FD9]  }
0x89: {  	s3 =	sld [smem:$0x3FFE];
	_ =	sdelay $0x1  }
0x8a: {  	s1 =	srdreg.scid  }
0x8b: {  	s0 =	sand.u32 $0x1, s1  }
0x8c: {  	s17 =	sshll.u32 s0, $0xA;
	s2 =	sadd.s32 s3, s2  }
0x8d: {  	s2 =	sadd.s32 s2, s17  }
0x8e: {  	[smem:$0x3FC2] =	sst s2  }
0x8f: {  	_ = 	snop  }
0x90: {  	s2 =	sld [smem:$0x3FD0];
	(tm) =	ssettm $0x1  }
0x91: {  	s18 =	sld [smem:$0x3FFB];
	_ =	sdelay $0x3  }
0x92: {  	_ =	strace s18  }
0x93: {  	s3 =	sld [smem:$0x3FFC];
	_ =	sdelay $0x3  }
0x94: {  	_ =	strace s3  }
0x95: {  	s3 =	sld [smem:$0x3FFD];
	_ =	sdelay $0x3  }
0x96: {  	_ =	strace s3  }
0x97: {  	_ =	strace $0x8FFFFFFF  }
0x98: {  	s19 =	sld [smem:$0x3FDB];
	_ =	sdelay $0x1  }
0x99: {  	s4 =	simm.s32 $_scs_section_size  }
0x9a: {  	s5 =	simm.s32 $_size__tile_overlayer_lowered;
	s6 =	simm.s32 $_tile_overlayer_lowered  }
0x9b: {  	s22 =	simm.s32 $0x1BFF;
	s21 =	sshll.u32 s6, $0x1;
	s3 =	sadd.s32 s4, s19  }
0x9c: {  	s7 =	simm.s32 $0x0;
	s20 =	sshll.u32 s5, $0x1;
	s5 =	sadd.s32 s21, s3  }
0x9d: {  	[timem:s7], [sflag:s22] =	dma.local [hbm:s5], s20  }
0x9e: {  	_ =	swait.ge [sflag:s22], s20  }
0x9f: {  	s4 =	ssub.s32 $0x0, s20;
	[sflag:s22] =	ssyncset.done $0x0  }
0xa0: {  	[sflag:s22] =	ssyncadd.s32 s4;
	_ =	sdelay $0x1  }
0xa1: {  	s23 =	simm.s32 $0x1B8B  }
0xa2: {  	_ =	swait.ge [sflag:s23], $0x1  }
0xa3: {  	[sflag:s23] =	ssyncset.done $0x0  }
0xa4: {  	s25 =	simm.s32 $0x1B8E;
	s24 =	sld [smem:$0x3FFE];
	[sflag:s23] =	ssyncadd.s32 $0xFFFFFFFF  }
0xa5: {  	s26 =	simm.s32 $execute0_lowered;
	[smem:$0x3FD2] =	sst s25  }
0xa6: {  	s5 =	sshll.u32 s26, $0x1;
	_ =	strace $0x80000049;
	[dreg:$0x1] =	wrdreg $0xFFFFFFFF  }
0xa7: {  	s28 =	simm.s32 $_size_execute0_lowered;
	s3 =	sadd.s32 s3, s5;
	[dreg:$0x0] =	wrdreg $0x0  }
0xa8: {  	s5 =	sshll.u32 s28, $0x1;
	[dreg:$0x2] =	wrdreg s3  }
0xa9: {  	[dreg:$0x3] =	wrdreg s5  }
0xaa: {  	[dreg:$0x4] =	wrdreg $0xC0  }
0xab: {  	_ =	task [dreg:s7], $0x5FFFF  }
0xac: {  	[dreg:$0x1] =	wrdreg $0xFFFFFFFF  }
0xad: {  	[dreg:$0x0] =	wrdreg $0x60  }
0xae: {  	[dreg:$0x2] =	wrdreg s2  }
0xaf: {  	[dreg:$0x3] =	wrdreg s24  }
0xb0: {  	[dreg:$0x4] =	wrdreg $0xA8000  }
0xb1: {  	[dreg:$0x5] =	wrdreg $0x9  }
0xb2: {  	_ =	task.clear_ibuf [dreg:s7], $0x6FFFF;
	_ =	strace $0x90000049  }
0xb3: {  	s29 =	simm.s32 $0x9;
	_ =	strace $0x8000004B  }
0xb4: {  	_ =	swait.ge [sflag:s29], $0x1  }
0xb5: {  	[sflag:s29] =	ssyncadd.s32 $0xFFFFFFFF  }
0xb6: {  	_ =	strace $0x9000004B  }
0xb7: {  	_ =	sfence  }
0xb8: {  	s30 =	sld [smem:$0x0];
	_ =	sdelay $0x2  }
0xb9: {  	s31 =	sshll.u32 s1, $0xD;
	s1 =	sshrl.u32 s1, $0x2  }
0xba: {  	s3 =	sand.u32 $0x4000, s31;
	s1 =	sadd.s32 s1, s30  }
0xbb: {  	s0 =	sor.u32 s3, s0;
	s1 =	sshll.u32 s1, $0x11  }
0xbc: {  	s0 =	sor.u32 s1, s0  }
0xbd: {  	s0 =	sadd.s32 $0x8F2B, s0  }
0xbe: {  	[sflag:s0] =	ssyncadd.remote.s32 $0x1  }
0xbf: {  	_ =	sfence.sel $0xFFFF  }
0xc0: {  	[dreg:$0x0] =	wrdreg $0xFFFFFFFF;
	(pc) =	sbr.abs _section_cstart, $3  }
0xc1: {  	[dreg:$0x1] =	wrdreg $0xFFFFFFFF  }
0xc2: {  	_ =	task.clear_ibuf [dreg:s7], $0x2FFFF;
	_ =	strace $0x9FFFFFFF  }
0xc3: {  	(tm) =	ssettm $0x7FFFFFFF  }
tec
execute0_lowered:
.L_overlay_start_1:
0x0: {  	(tag) =	ssettag $0x1  }
0x1: {  	s2 =	rddreg [dreg:$0x0]  }
0x2: {  	s1 =	srdreg.scid;
	s7 =	rddreg [dreg:$0x1]  }
0x3: {  	s0 =	stileid.u32;
	s3 =	rddreg [dreg:$0x2]  }
0x4: {  	s4 =	simm.s32 $0x0;
	s14 =	simm.s32 $0x3;
	s15 =	simm.s32 $0x1400  }
0x5: {  	s16 =	simm.s32 $0x7D;
	s17 =	simm.s32 $0x2800;
	s18 =	simm.s32 $0x80  }
0x6: {  	s19 =	simm.s32 $0x6800;
	s20 =	simm.s32 $0x1;
	s21 =	simm.s32 $0x2  }
0x7: {  	s22 =	simm.s32 $0x2700;
	s23 =	simm.s32 $0x2780;
	s24 =	simm.s32 $0x0  }
0x8: {  	s6 =	sand.u32 $0x1, s1;
	s29 =	sshll.u32 s0, $0x1;
	s9 =	smul.u32 $0x13C00, s0  }
0x9: {  	[smem:$0x7FF] =	sst s4;
	s30 =	smul.u32 $0x4E200, s0;
	s10 =	sshll.u32 s0, $0x6  }
0xa: {  	s1 =	sor.u32 s6, s29;
	s8 =	smul.u32 $0x13C000, s6;
	s6 =	ssub.s32 $0x2, s6  }
0xb: {  	s5 =	smul.u32 $0x2800, s1;
	s1 =	rddreg [dreg:$0x3];
	_ =	strace $0x8000004A  }
0xc: {  	s31 =	sshrl.u32 s6, $0x1;
	s8 =	sadd.s32 s9, s8;
	s9 =	sshrl.u32 s30, $0x2  }
0xd: {  	s5 =	sshrl.u32 s5, $0x3;
	s8 =	sshrl.u32 s8, $0x3;
	s13 =	sadd.s32 s9, s3  }
0xe: {  	s12 =	sadd.s32 s5, s7;
	s5 =	sadd.s32 $0x16000, s7;
	s7 =	sadd.s32 s8, s7  }
0xf: {  	s8 =	ssub.s32 s6, s31;
	s6 =	sor.u32 $0x1C03, s10;
	s13 =	sshrl.u32 s13, $0x3  }
0x10: {  	s7 =	sadd.s32 $0x18800, s7;
	s8 =	smax.u32 s8, $0x1;
	s9 =	sadd.s32 $0x2000, s12  }
0x11: {  	s10 =	sadd.s32 $0xC000, s12;
	s11 =	sadd.s32 $0x2280, s12;
	s12 =	sadd.s32 $0xC280, s12  }
.LBB2_1:
0x12: {  	[spmem:s13], [sflag:s6] =	dma.local [hbm:s5], $0x2710  }
0x13: {  	_ =	swait.ge [sflag:s14], $0x2710  }
0x14: {  	[sflag:s14] =	ssyncset.done $0x0  }
0x15: {  	[sflag:s14] =	ssyncadd.s32 $0xFFFFD8F0  }
0x16: {  	[bflag:$0x0] =	sbarrier.arrive $0xFFFF  }
0x17: {  	[tilespmem:s4], [sflag:$0x3] =	stream.linear.gather [hbm4b:s9+s4], $0x1400, $0x38;
	[tilespmem:$0x1E080] =	vst v63  }
0x18: {  	_ =	swait.ge [sflag:s14], $0x1400  }
0x19: {  	[sflag:s14] =	ssyncset.done $0x0  }
0x1a: {  	[sflag:s14] =	ssyncadd.s32 $0xFFFFEC00  }
0x1b: {  	[tilespmem:s15], [sflag:$0x3] =	stream.linear.gather [hbm4b:s10+s4], $0x1400, $0x38;
	[tilespmem:$0x1E080] =	vst v63  }
0x1c: {  	_ =	swait.ge [sflag:s14], $0x1400  }
0x1d: {  	[sflag:s14] =	ssyncset.done $0x0  }
0x1e: {  	[sflag:s14] =	ssyncadd.s32 $0xFFFFEC00  }
0x1f: {  	[tilespmem:s17], [sflag:$0x1] =	stream.indirect.gather [hbm4b:s2+s16], $0x80, s4, s16, $0xb8;
	[tilespmem:$0x1E080] =	vst v63  }
0x20: {  	_ = 	snop  }
0x21: {  	[tilespmem:s19], [sflag:$0x2] =	stream.indirect.gather [hbm4b:s2+s16], $0x80, s18, s16, $0xb8;
	[tilespmem:$0x1E080] =	vst v63  }
0x22: {  	_ =	swait.ge [sflag:s20], $0x3E80  }
0x23: {  	[sflag:s20] =	ssyncset.done $0x0  }
0x24: {  	s25 =	simm.s32 $0x1400;
	[sflag:s20] =	ssyncadd.s32 $0xFFFFC180  }
0x25: {  	[spmem:s3] =	stream.indirect.scatter.add.f32 [tilespmem:s17], [sflag:$0x3], $0x80, s25, s16, $0xb8;
	[tilespmem:$0x1E080] =	vst v63  }
0x26: {  	_ =	swait.ge [sflag:s14], $0x3E80  }
0x27: {  	[sflag:s14] =	ssyncset.done $0x0  }
0x28: {  	s30 =	simm.s32 $0x100;
	[sflag:s14] =	ssyncadd.s32 $0xFFFFC180  }
0x29: {  	[tilespmem:s17], [sflag:$0x1] =	stream.indirect.gather [hbm4b:s2+s16], $0x80, s30, s16, $0xb8;
	[tilespmem:$0x1E080] =	vst v63  }
0x2a: {  	_ =	swait.ge [sflag:s21], $0x3E80  }
0x2b: {  	[sflag:s21] =	ssyncset.done $0x0  }
0x2c: {  	s31 =	simm.s32 $0x1480;
	[sflag:s21] =	ssyncadd.s32 $0xFFFFC180  }
0x2d: {  	[spmem:s3] =	stream.indirect.scatter.add.f32 [tilespmem:s19], [sflag:$0x3], $0x80, s31, s16, $0xb8;
	[tilespmem:$0x1E080] =	vst v63  }
0x2e: {  	_ =	swait.ge [sflag:s14], $0x3E80  }
0x2f: {  	[sflag:s14] =	ssyncset.done $0x0  }
0x30: {  	s26 =	simm.s32 $0x180;
	s25 =	simm.s32 $0x400;
	[sflag:s14] =	ssyncadd.s32 $0xFFFFC180  }
.LBB2_2:
0x31: {  	[tilespmem:s19], [sflag:$0x2] =	stream.indirect.gather [hbm4b:s2+s16], $0x80, s26, s16, $0xb8;
	[tilespmem:$0x1E080] =	vst v63  }
0x32: {  	s26 =	smov.u32 s25  }
0x33: {  	p0 =	sne.s32 s25, $0x4800;
	s25 =	sadd.s32 $0x400, s25;
	_ =	swait.ge [sflag:s20], $0x3E80  }
0x34: {  	s26 =	sshra.s32 s26, $0x2;
	[sflag:s20] =	ssyncset.done $0x0  }
0x35: {  	s28 =	sadd.s32 $0x1400, s26;
	[sflag:s20] =	ssyncadd.s32 $0xFFFFC180  }
0x36: {  	[spmem:s3] =	stream.indirect.scatter.add.f32 [tilespmem:s17], [sflag:$0x3], $0x80, s28, s16, $0xb8;
	[tilespmem:$0x1E080] =	vst v63  }
0x37: {  	_ =	swait.ge [sflag:s14], $0x3E80  }
0x38: {  	[sflag:s14] =	ssyncset.done $0x0  }
0x39: {  	s28 =	sadd.s32 $0x100, s26;
	[sflag:s14] =	ssyncadd.s32 $0xFFFFC180  }
0x3a: {  	[tilespmem:s17], [sflag:$0x1] =	stream.indirect.gather [hbm4b:s2+s16], $0x80, s28, s16, $0xb8;
	[tilespmem:$0x1E080] =	vst v63  }
0x3b: {  	_ =	swait.ge [sflag:s21], $0x3E80  }
0x3c: {  	[sflag:s21] =	ssyncset.done $0x0  }
.Ltmp0:
0x3d: {  	s28 =	sadd.s32 $0x1480, s26;
	[sflag:s21] =	ssyncadd.s32 $0xFFFFC180;
	(pc) =	sbr.rel @p0 .LBB2_2-.Ltmp0, $4  }
0x3e: {  	[spmem:s3] =	stream.indirect.scatter.add.f32 [tilespmem:s19], [sflag:$0x3], $0x80, s28, s16, $0xb8;
	[tilespmem:$0x1E080] =	vst v63  }
0x3f: {  	_ =	swait.ge [sflag:s14], $0x3E80  }
0x40: {  	[sflag:s14] =	ssyncset.done $0x0  }
0x41: {  	s26 =	sadd.s32 $0x180, s26;
	[sflag:s14] =	ssyncadd.s32 $0xFFFFC180  }
0x42: {  	[tilespmem:s19], [sflag:$0x2] =	stream.indirect.gather [hbm4b:s2+s16], $0x80, s26, s16, $0xb8;
	[tilespmem:$0x1E080] =	vst v63  }
0x43: {  	_ =	swait.ge [sflag:s20], $0x3E80  }
0x44: {  	[sflag:s20] =	ssyncset.done $0x0  }
0x45: {  	[sflag:s20] =	ssyncadd.s32 $0xFFFFC180  }
0x46: {  	[spmem:s3] =	stream.indirect.scatter.add.f32 [tilespmem:s17], [sflag:$0x3], $0x80, s22, s16, $0xb8;
	[tilespmem:$0x1E080] =	vst v63  }
0x47: {  	_ =	swait.ge [sflag:s14], $0x3E80  }
0x48: {  	[sflag:s14] =	ssyncset.done $0x0  }
0x49: {  	[sflag:s14] =	ssyncadd.s32 $0xFFFFC180  }
0x4a: {  	_ =	swait.ge [sflag:s21], $0x3E80  }
0x4b: {  	[sflag:s21] =	ssyncset.done $0x0  }
0x4c: {  	[sflag:s21] =	ssyncadd.s32 $0xFFFFC180  }
0x4d: {  	[spmem:s3] =	stream.indirect.scatter.add.f32 [tilespmem:s19], [sflag:$0x3], $0x80, s23, s16, $0xb8;
	[tilespmem:$0x1E080] =	vst v63  }
0x4e: {  	_ =	swait.ge [sflag:s14], $0x3E80  }
0x4f: {  	[sflag:s14] =	ssyncset.done $0x0  }
0x50: {  	s25 =	simm.s32 $0x0;
	[sflag:s14] =	ssyncadd.s32 $0xFFFFC180  }
0x51: {  	[tilespmem:s25], [sflag:$0x3] =	stream.linear.gather [hbm4b:s11+s25], $0x1400, $0x38;
	[tilespmem:$0x1E080] =	vst v63  }
0x52: {  	_ =	swait.ge [sflag:s14], $0x1400  }
0x53: {  	[sflag:s14] =	ssyncset.done $0x0  }
0x54: {  	[sflag:s14] =	ssyncadd.s32 $0xFFFFEC00  }
0x55: {  	[tilespmem:s15], [sflag:$0x3] =	stream.linear.gather [hbm4b:s12+s25], $0x1400, $0x38;
	[tilespmem:$0x1E080] =	vst v63  }
0x56: {  	_ =	swait.ge [sflag:s14], $0x1400  }
0x57: {  	[sflag:s14] =	ssyncset.done $0x0  }
0x58: {  	[sflag:s14] =	ssyncadd.s32 $0xFFFFEC00  }
0x59: {  	[tilespmem:s17], [sflag:$0x1] =	stream.indirect.gather [hbm4b:s2+s16], $0x80, s25, s16, $0xb8;
	[tilespmem:$0x1E080] =	vst v63  }
0x5a: {  	_ = 	snop  }
0x5b: {  	[tilespmem:s19], [sflag:$0x2] =	stream.indirect.gather [hbm4b:s2+s16], $0x80, s18, s16, $0xb8;
	[tilespmem:$0x1E080] =	vst v63  }
0x5c: {  	_ =	swait.ge [sflag:s20], $0x3E80  }
0x5d: {  	[sflag:s20] =	ssyncset.done $0x0  }
0x5e: {  	s29 =	simm.s32 $0x1400;
	[sflag:s20] =	ssyncadd.s32 $0xFFFFC180  }
0x5f: {  	[spmem:s3] =	stream.indirect.scatter.add.f32 [tilespmem:s17], [sflag:$0x3], $0x80, s29, s16, $0xb8;
	[tilespmem:$0x1E080] =	vst v63  }
0x60: {  	_ =	swait.ge [sflag:s14], $0x3E80  }
0x61: {  	[sflag:s14] =	ssyncset.done $0x0  }
0x62: {  	s30 =	simm.s32 $0x100;
	[sflag:s14] =	ssyncadd.s32 $0xFFFFC180  }
0x63: {  	[tilespmem:s17], [sflag:$0x1] =	stream.indirect.gather [hbm4b:s2+s16], $0x80, s30, s16, $0xb8;
	[tilespmem:$0x1E080] =	vst v63  }
0x64: {  	_ =	swait.ge [sflag:s21], $0x3E80  }
0x65: {  	[sflag:s21] =	ssyncset.done $0x0  }
0x66: {  	s31 =	simm.s32 $0x1480;
	[sflag:s21] =	ssyncadd.s32 $0xFFFFC180  }
0x67: {  	[spmem:s3] =	stream.indirect.scatter.add.f32 [tilespmem:s19], [sflag:$0x3], $0x80, s31, s16, $0xb8;
	[tilespmem:$0x1E080] =	vst v63  }
0x68: {  	_ =	swait.ge [sflag:s14], $0x3E80  }
0x69: {  	[sflag:s14] =	ssyncset.done $0x0  }
0x6a: {  	s26 =	simm.s32 $0x180;
	s25 =	simm.s32 $0x400;
	[sflag:s14] =	ssyncadd.s32 $0xFFFFC180  }
.LBB2_4:
0x6b: {  	[tilespmem:s19], [sflag:$0x2] =	stream.indirect.gather [hbm4b:s2+s16], $0x80, s26, s16, $0xb8;
	[tilespmem:$0x1E080] =	vst v63  }
0x6c: {  	s26 =	smov.u32 s25  }
0x6d: {  	p0 =	sne.s32 s25, $0x4800;
	s25 =	sadd.s32 $0x400, s25;
	_ =	swait.ge [sflag:s20], $0x3E80  }
0x6e: {  	s26 =	sshra.s32 s26, $0x2;
	[sflag:s20] =	ssyncset.done $0x0  }
0x6f: {  	s28 =	sadd.s32 $0x1400, s26;
	[sflag:s20] =	ssyncadd.s32 $0xFFFFC180  }
0x70: {  	[spmem:s3] =	stream.indirect.scatter.add.f32 [tilespmem:s17], [sflag:$0x3], $0x80, s28, s16, $0xb8;
	[tilespmem:$0x1E080] =	vst v63  }
0x71: {  	_ =	swait.ge [sflag:s14], $0x3E80  }
0x72: {  	[sflag:s14] =	ssyncset.done $0x0  }
0x73: {  	s28 =	sadd.s32 $0x100, s26;
	[sflag:s14] =	ssyncadd.s32 $0xFFFFC180  }
0x74: {  	[tilespmem:s17], [sflag:$0x1] =	stream.indirect.gather [hbm4b:s2+s16], $0x80, s28, s16, $0xb8;
	[tilespmem:$0x1E080] =	vst v63  }
0x75: {  	_ =	swait.ge [sflag:s21], $0x3E80  }
0x76: {  	[sflag:s21] =	ssyncset.done $0x0  }
.Ltmp1:
0x77: {  	s28 =	sadd.s32 $0x1480, s26;
	[sflag:s21] =	ssyncadd.s32 $0xFFFFC180;
	(pc) =	sbr.rel @p0 .LBB2_4-.Ltmp1, $4  }
0x78: {  	[spmem:s3] =	stream.indirect.scatter.add.f32 [tilespmem:s19], [sflag:$0x3], $0x80, s28, s16, $0xb8;
	[tilespmem:$0x1E080] =	vst v63  }
0x79: {  	_ =	swait.ge [sflag:s14], $0x3E80  }
0x7a: {  	[sflag:s14] =	ssyncset.done $0x0  }
0x7b: {  	s26 =	sadd.s32 $0x180, s26;
	[sflag:s14] =	ssyncadd.s32 $0xFFFFC180  }
0x7c: {  	[tilespmem:s19], [sflag:$0x2] =	stream.indirect.gather [hbm4b:s2+s16], $0x80, s26, s16, $0xb8;
	[tilespmem:$0x1E080] =	vst v63  }
0x7d: {  	_ =	swait.ge [sflag:s20], $0x3E80  }
0x7e: {  	[sflag:s20] =	ssyncset.done $0x0  }
0x7f: {  	[sflag:s20] =	ssyncadd.s32 $0xFFFFC180  }
0x80: {  	[spmem:s3] =	stream.indirect.scatter.add.f32 [tilespmem:s17], [sflag:$0x3], $0x80, s22, s16, $0xb8;
	[tilespmem:$0x1E080] =	vst v63  }
0x81: {  	_ =	swait.ge [sflag:s14], $0x3E80  }
0x82: {  	[sflag:s14] =	ssyncset.done $0x0  }
0x83: {  	[sflag:s14] =	ssyncadd.s32 $0xFFFFC180  }
0x84: {  	_ =	swait.ge [sflag:s21], $0x3E80  }
0x85: {  	[sflag:s21] =	ssyncset.done $0x0  }
0x86: {  	[sflag:s21] =	ssyncadd.s32 $0xFFFFC180  }
0x87: {  	[spmem:s3] =	stream.indirect.scatter.add.f32 [tilespmem:s19], [sflag:$0x3], $0x80, s23, s16, $0xb8;
	[tilespmem:$0x1E080] =	vst v63  }
0x88: {  	_ =	swait.ge [sflag:s14], $0x3E80  }
0x89: {  	s24 =	sadd.s32 $0x1, s24;
	[sflag:s14] =	ssyncset.done $0x0  }
0x8a: {  	p0 =	sne.s32 s24, s8;
	[sflag:s14] =	ssyncadd.s32 $0xFFFFC180  }
.Ltmp2:
0x8b: {  	[bflag:$0x0] =	sbarrier.arrive $0xFFFF;
	(pc) =	sbr.rel @p0 .LBB2_1-.Ltmp2, $4  }
0x8c: {  	[hbm:s7], [sflag:s6] =	dma.local [spmem:s13], $0x2710  }
0x8d: {  	_ =	swait.ge [sflag:s14], $0x2710  }
0x8e: {  	[sflag:s14] =	ssyncset.done $0x0  }
0x8f: {  	[sflag:s14] =	ssyncadd.s32 $0xFFFFD8F0  }
0x90: {  	_ =	sfence.sel $0x180000  }
0x91: {  	[bflag:$0x0] =	sbarrier.arrive $0xFFFF  }
0x92: {  	p0 =	sne.s32 s0, $0x0;
	_ =	strace $0x9000004A  }
0x93: {  	s0 =	sadd.s32 @!p0 $0x100000, s1;
	[bflag:$0x2] =	sbarrier.arrive $0xFFFF  }
0x94: {  	[sflag:s0] =	ssyncadd.tile.s32 @!p0 $0x1;
	_ =	shalt  }
.Lfunc_end2:
_tile_overlayer_lowered:
.L_overlay_start_2:
0x95: {  	(tag) =	ssettag $0x2  }
0x96: {  	s0 =	rddreg [dreg:$0x0];
	s2 =	stileid.u32  }
0x97: {  	s1 =	rddreg [dreg:$0x1];
	p0 =	sne.s32 s2, $0x0  }
0x98: {  	s3 =	rddreg [dreg:$0x2];
	[bflag:$0x3] =	sbarrier.arrive $0xFFFF;
	s2 =	simm.s32 @!p0 $0x1C03  }
0x99: {  	[timem:s3], [sflag:s2] =	dma.local @!p0 [hbm:s0], s1  }
0x9a: {  	s0 =	simm.s32 @!p0 $0x3  }
0x9b: {  	_ =	swait.ge @!p0 [sflag:s0], s1  }
0x9c: {  	s1 =	ssub.s32 @!p0 $0x0, s1;
	[sflag:s0] =	ssyncset.done @!p0 $0x0  }
0x9d: {  	[sflag:s0] =	ssyncadd.s32 @!p0 s1  }
0x9e: {  	[bflag:$0x3] =	sbarrier.arrive $0xFFFF  }
0x9f: {  	_ =	shalt  }

// kernel: kernel.7.cloned.1.call-start
scs
__scs_entry_jumppad:
0x0: {  	(pc) =	sbr.rel $0x88, $3  }
0x1: {  	(tag) =	ssettag $0x0;
	lr =	simm.s32 $0x1  }
0x2: {  	[smem:$0x3F9B] =	sst lr;
	_ =	strace $0xD0000000  }
0x3: {  	_ = 	snop  }
0x4: {  	_ = 	snop  }
0x5: {  	_ = 	snop  }
0x6: {  	_ = 	snop  }
0x7: {  	_ = 	snop  }
__scs_overlays_trampoline_lowered:
0x8: {  	[smem:$0x3FAA] =	sst s0  }
0x9: {  	[smem:$0x3FAB] =	sst s1  }
0xa: {  	[smem:$0x3FAC] =	sst s2  }
0xb: {  	[smem:$0x3FAD] =	sst s3  }
0xc: {  	[smem:$0x3FAE] =	sst s4  }
0xd: {  	[smem:$0x3FAF] =	sst s5  }
0xe: {  	[smem:$0x3FB0] =	sst s6  }
0xf: {  	[smem:$0x3FB1] =	sst s7  }
0x10: {  	[smem:$0x3FB2] =	sst s8  }
0x11: {  	[smem:$0x3FB3] =	sst s9;
	s0 =	simm.s32 @!p0 $0x0  }
0x12: {  	s1 =	sld [smem:$0x3F99];
	s0 =	simm.s32 @p0 $0x1  }
0x13: {  	[smem:$0x3FB4] =	sst s0;
	s0 =	simm.s32 @!p1 $0x0  }
0x14: {  	s2 =	sld [smem:$0x3F98];
	s0 =	simm.s32 @p1 $0x1  }
0x15: {  	[smem:$0x3FB5] =	sst s0;
	s0 =	simm.s32 @!p2 $0x0  }
0x16: {  	s3 =	sld [smem:$0x3FDB];
	s0 =	simm.s32 @p2 $0x1  }
0x17: {  	s4 =	simm.s32 $0x1BF5;
	[smem:$0x3FB7] =	sst s0  }
0x18: {  	s0 =	sld [smem:$0x3F9A];
	_ =	swait.ge [sflag:s4], $0x0  }
0x19: {  	s7 =	sld [smem:$0x3F9B]  }
0x1a: {  	s8 =	sadd.s32 $0xFFFFE003, lr  }
0x1b: {  	s9 =	sadd.s32 $0xFFFFFEF7, lr;
	s5 =	simm.s32 $0xFFFFFFFF;
	p2 =	slt.u32 s8, $0xFFFFF086  }
0x1c: {  	p1 =	slt.u32 s9, $0xF7A;
	s5 =	simm.s32 @!p2 $0x0  }
0x1d: {  	s5 =	simm.s32 @p1 $0x1;
	p0 =	seq.s32 s7, s2  }
0x1e: {  	s7 =	smul.u32 @!p0 $0xF7A, s2;
	p2 =	seq.s32 @!p0 s5, $0x0  }
0x1f: {  	s9 =	smul.u32 $0xF7A, s1;
	s8 =	simm.s32 @!p0 $0x1BF5;
	p2 =	por !p2, p0  }
0x20: {  	[sflag:s8] =	ssyncset.s32 @!p0 $0xFFFFF086;
	s6 =	sadd.s32 @!p0 s3, s7;
	s7 =	simm.s32 @!p0 $0x108  }
0x21: {  	s3 =	sadd.s32 s3, s9;
	s6 =	sadd.s32 @!p0 $0x88, s6;
	s7 =	simm.s32 @p2 $0x1082  }
0x22: {  	[simem:s7], [sflag:s8] =	dma.local @!p0 [hbm:s6], $0xF7A  }
0x23: {  	s9 =	sor.u32 $0xD0000000, s2;
	s6 =	simm.s32 $0x108;
	_ =	swait.ge @!p0 [sflag:s8], $0x0  }
0x24: {  	s3 =	sadd.s32 $0x88, s3;
	s6 =	simm.s32 @!p1 $0x1082;
	[sflag:s4] =	ssyncset.s32 $0xFFFFF086  }
0x25: {  	[simem:s6], [sflag:s4] =	dma.local [hbm:s3], $0xF7A  }
0x26: {  	[smem:$0x3F9B] =	sst s1;
	(tag) =	ssettag s2;
	_ =	strace s9  }
0x27: {  	s1 =	sld [smem:$0x3FAB]  }
0x28: {  	s2 =	sld [smem:$0x3FAC]  }
0x29: {  	s4 =	sld [smem:$0x3FAE]  }
0x2a: {  	p0 =	seq.s32 s5, $0x0;
	s5 =	sld [smem:$0x3FAF]  }
0x2b: {  	s6 =	sld [smem:$0x3FB0]  }
0x2c: {  	s7 =	sld [smem:$0x3FB1]  }
0x2d: {  	s3 =	simm.s32 $0x108;
	s8 =	sld [smem:$0x3FB2]  }
0x2e: {  	s3 =	simm.s32 @!p0 $0x1082;
	s9 =	sld [smem:$0x3FB3]  }
0x2f: {  	lr =	sadd.s32 s0, s3;
	s0 =	sld [smem:$0x3FAA]  }
0x30: {  	s3 =	sld [smem:$0x3FAD]  }
0x31: {  	[smem:$0x3FB6] =	sst s10  }
0x32: {  	s10 =	sld [smem:$0x3FB4];
	_ =	sdelay $0x3  }
0x33: {  	p0 =	seq.s32 s10, $0x1;
	s10 =	sld [smem:$0x3FB6];
	_ =	sdelay $0x3  }
0x34: {  	[smem:$0x3FB6] =	sst s10  }
0x35: {  	s10 =	sld [smem:$0x3FB5];
	_ =	sdelay $0x3  }
0x36: {  	p1 =	seq.s32 s10, $0x1;
	s10 =	sld [smem:$0x3FB6];
	_ =	sdelay $0x3  }
0x37: {  	[smem:$0x3FB6] =	sst s10  }
0x38: {  	s10 =	sld [smem:$0x3FB7]  }
0x39: {  	_ = 	snop;
	(pc) =	sbr.ind lr, $3  }
0x3a: {  	_ = 	snop  }
0x3b: {  	_ = 	snop  }
0x3c: {  	p2 =	seq.s32 s10, $0x1;
	s10 =	sld [smem:$0x3FB6]  }
0x3d: {  	_ =	shalt  }
0x3e: {  	_ =	shalt  }
0x3f: {  	_ =	shalt  }
0x40: {  	_ =	shalt  }
0x41: {  	_ =	shalt  }
0x42: {  	_ =	shalt  }
0x43: {  	_ =	shalt  }
0x44: {  	_ =	shalt  }
0x45: {  	_ =	shalt  }
0x46: {  	_ =	shalt  }
0x47: {  	_ =	shalt  }
0x48: {  	_ =	shalt  }
0x49: {  	_ =	shalt  }
0x4a: {  	_ =	shalt  }
0x4b: {  	_ =	shalt  }
0x4c: {  	_ =	shalt  }
0x4d: {  	_ =	shalt  }
0x4e: {  	_ =	shalt  }
0x4f: {  	_ =	shalt  }
0x50: {  	_ =	shalt  }
0x51: {  	_ =	shalt  }
0x52: {  	_ =	shalt  }
0x53: {  	_ =	shalt  }
0x54: {  	_ =	shalt  }
0x55: {  	_ =	shalt  }
0x56: {  	_ =	shalt  }
0x57: {  	_ =	shalt  }
0x58: {  	_ =	shalt  }
0x59: {  	_ =	shalt  }
0x5a: {  	_ =	shalt  }
0x5b: {  	_ =	shalt  }
0x5c: {  	_ =	shalt  }
0x5d: {  	_ =	shalt  }
0x5e: {  	_ =	shalt  }
0x5f: {  	_ =	shalt  }
0x60: {  	_ =	shalt  }
0x61: {  	_ =	shalt  }
0x62: {  	_ =	shalt  }
0x63: {  	_ =	shalt  }
0x64: {  	_ =	shalt  }
0x65: {  	_ =	shalt  }
0x66: {  	_ =	shalt  }
0x67: {  	_ =	shalt  }
0x68: {  	_ =	shalt  }
0x69: {  	_ =	shalt  }
0x6a: {  	_ =	shalt  }
0x6b: {  	_ =	shalt  }
0x6c: {  	_ =	shalt  }
0x6d: {  	_ =	shalt  }
0x6e: {  	_ =	shalt  }
0x6f: {  	_ =	shalt  }
0x70: {  	_ =	shalt  }
0x71: {  	_ =	shalt  }
0x72: {  	_ =	shalt  }
0x73: {  	_ =	shalt  }
0x74: {  	_ =	shalt  }
0x75: {  	_ =	shalt  }
0x76: {  	_ =	shalt  }
0x77: {  	_ =	shalt  }
0x78: {  	_ =	shalt  }
0x79: {  	_ =	shalt  }
0x7a: {  	_ =	shalt  }
0x7b: {  	_ =	shalt  }
0x7c: {  	_ =	shalt  }
0x7d: {  	_ =	shalt  }
0x7e: {  	_ =	shalt  }
0x7f: {  	_ =	shalt  }
0x80: {  	_ =	shalt  }
0x81: {  	_ =	shalt  }
0x82: {  	_ =	shalt  }
0x83: {  	_ =	shalt  }
0x84: {  	_ =	shalt  }
0x85: {  	_ =	shalt  }
0x86: {  	_ =	shalt  }
0x87: {  	_ =	shalt  }
.Lfunc_end0:
.L_simem_size_0:
called_computation_lowered:
.L_overlay_start_0:
0x88: {  	s2 =	sld [smem:$0x3FD9]  }
0x89: {  	s3 =	sld [smem:$0x3FFE];
	_ =	sdelay $0x1  }
0x8a: {  	s1 =	srdreg.scid  }
0x8b: {  	s0 =	sand.u32 $0x1, s1  }
0x8c: {  	s17 =	sshll.u32 s0, $0xA;
	s2 =	sadd.s32 s3, s2  }
0x8d: {  	s2 =	sadd.s32 s2, s17  }
0x8e: {  	[smem:$0x3FC2] =	sst s2  }
0x8f: {  	_ = 	snop  }
0x90: {  	s2 =	sld [smem:$0x3FD0];
	(tm) =	ssettm $0x1  }
0x91: {  	s18 =	sld [smem:$0x3FFB];
	_ =	sdelay $0x3  }
0x92: {  	_ =	strace s18  }
0x93: {  	s3 =	sld [smem:$0x3FFC];
	_ =	sdelay $0x3  }
0x94: {  	_ =	strace s3  }
0x95: {  	s3 =	sld [smem:$0x3FFD];
	_ =	sdelay $0x3  }
0x96: {  	_ =	strace s3  }
0x97: {  	_ =	strace $0x8FFFFFFF  }
0x98: {  	s19 =	sld [smem:$0x3FDB];
	_ =	sdelay $0x1  }
0x99: {  	s4 =	simm.s32 $_scs_section_size  }
0x9a: {  	s5 =	simm.s32 $_size__tile_overlayer_lowered;
	s6 =	simm.s32 $_tile_overlayer_lowered  }
0x9b: {  	s22 =	simm.s32 $0x1BFF;
	s21 =	sshll.u32 s6, $0x1;
	s3 =	sadd.s32 s4, s19  }
0x9c: {  	s7 =	simm.s32 $0x0;
	s20 =	sshll.u32 s5, $0x1;
	s5 =	sadd.s32 s21, s3  }
0x9d: {  	[timem:s7], [sflag:s22] =	dma.local [hbm:s5], s20  }
0x9e: {  	_ =	swait.ge [sflag:s22], s20  }
0x9f: {  	s4 =	ssub.s32 $0x0, s20;
	[sflag:s22] =	ssyncset.done $0x0  }
0xa0: {  	[sflag:s22] =	ssyncadd.s32 s4;
	_ =	sdelay $0x1  }
0xa1: {  	s23 =	simm.s32 $0x1B8B  }
0xa2: {  	_ =	swait.ge [sflag:s23], $0x1  }
0xa3: {  	[sflag:s23] =	ssyncset.done $0x0  }
0xa4: {  	s25 =	simm.s32 $0x1B8E;
	s24 =	sld [smem:$0x3FFE];
	[sflag:s23] =	ssyncadd.s32 $0xFFFFFFFF  }
0xa5: {  	s26 =	simm.s32 $execute0_lowered;
	[smem:$0x3FD2] =	sst s25  }
0xa6: {  	s5 =	sshll.u32 s26, $0x1;
	_ =	strace $0x80000046;
	[dreg:$0x1] =	wrdreg $0xFFFFFFFF  }
0xa7: {  	s28 =	simm.s32 $_size_execute0_lowered;
	s3 =	sadd.s32 s3, s5;
	[dreg:$0x0] =	wrdreg $0x0  }
0xa8: {  	s5 =	sshll.u32 s28, $0x1;
	[dreg:$0x2] =	wrdreg s3  }
0xa9: {  	[dreg:$0x3] =	wrdreg s5  }
0xaa: {  	[dreg:$0x4] =	wrdreg $0xC0  }
0xab: {  	_ =	task [dreg:s7], $0x5FFFF  }
0xac: {  	[dreg:$0x1] =	wrdreg $0xFFFFFFFF  }
0xad: {  	[dreg:$0x0] =	wrdreg $0x60  }
0xae: {  	[dreg:$0x2] =	wrdreg s2  }
0xaf: {  	[dreg:$0x3] =	wrdreg s24  }
0xb0: {  	[dreg:$0x4] =	wrdreg $0xA8000  }
0xb1: {  	[dreg:$0x5] =	wrdreg $0x9  }
0xb2: {  	_ =	task.clear_ibuf [dreg:s7], $0x6FFFF;
	_ =	strace $0x90000046  }
0xb3: {  	s29 =	simm.s32 $0x9;
	_ =	strace $0x80000048  }
0xb4: {  	_ =	swait.ge [sflag:s29], $0x1  }
0xb5: {  	[sflag:s29] =	ssyncadd.s32 $0xFFFFFFFF  }
0xb6: {  	_ =	strace $0x90000048  }
0xb7: {  	_ =	sfence  }
0xb8: {  	s30 =	sld [smem:$0x0];
	_ =	sdelay $0x2  }
0xb9: {  	s31 =	sshll.u32 s1, $0xD;
	s1 =	sshrl.u32 s1, $0x2  }
0xba: {  	s3 =	sand.u32 $0x4000, s31;
	s1 =	sadd.s32 s1, s30  }
0xbb: {  	s0 =	sor.u32 s3, s0;
	s1 =	sshll.u32 s1, $0x11  }
0xbc: {  	s0 =	sor.u32 s1, s0  }
0xbd: {  	s0 =	sadd.s32 $0x8F2B, s0  }
0xbe: {  	[sflag:s0] =	ssyncadd.remote.s32 $0x1  }
0xbf: {  	_ =	sfence.sel $0xFFFF  }
0xc0: {  	[dreg:$0x0] =	wrdreg $0xFFFFFFFF;
	(pc) =	sbr.abs _section_cstart, $3  }
0xc1: {  	[dreg:$0x1] =	wrdreg $0xFFFFFFFF  }
0xc2: {  	_ =	task.clear_ibuf [dreg:s7], $0x2FFFF;
	_ =	strace $0x9FFFFFFF  }
0xc3: {  	(tm) =	ssettm $0x7FFFFFFF  }
tec
execute0_lowered:
.L_overlay_start_1:
0x0: {  	(tag) =	ssettag $0x1  }
0x1: {  	s2 =	rddreg [dreg:$0x0]  }
0x2: {  	s1 =	srdreg.scid;
	s7 =	rddreg [dreg:$0x1]  }
0x3: {  	s0 =	stileid.u32;
	s3 =	rddreg [dreg:$0x2]  }
0x4: {  	s4 =	simm.s32 $0x0;
	s14 =	simm.s32 $0x3;
	s15 =	simm.s32 $0x1400  }
0x5: {  	s16 =	simm.s32 $0x7D;
	s17 =	simm.s32 $0x2800;
	s18 =	simm.s32 $0x80  }
0x6: {  	s19 =	simm.s32 $0x6800;
	s20 =	simm.s32 $0x1;
	s21 =	simm.s32 $0x2  }
0x7: {  	s22 =	simm.s32 $0x2700;
	s23 =	simm.s32 $0x2780;
	s24 =	simm.s32 $0x0  }
0x8: {  	s6 =	sand.u32 $0x1, s1;
	s29 =	sshll.u32 s0, $0x1;
	s9 =	smul.u32 $0x13C00, s0  }
0x9: {  	[smem:$0x7FF] =	sst s4;
	s30 =	smul.u32 $0x4E200, s0;
	s10 =	sshll.u32 s0, $0x6  }
0xa: {  	s1 =	sor.u32 s6, s29;
	s8 =	smul.u32 $0x13C000, s6;
	s6 =	ssub.s32 $0x2, s6  }
0xb: {  	s5 =	smul.u32 $0x2800, s1;
	s1 =	rddreg [dreg:$0x3];
	_ =	strace $0x80000047  }
0xc: {  	s31 =	sshrl.u32 s6, $0x1;
	s8 =	sadd.s32 s9, s8;
	s9 =	sshrl.u32 s30, $0x2  }
0xd: {  	s5 =	sshrl.u32 s5, $0x3;
	s8 =	sshrl.u32 s8, $0x3;
	s13 =	sadd.s32 s9, s3  }
0xe: {  	s12 =	sadd.s32 s5, s7;
	s5 =	sadd.s32 $0x16000, s7;
	s7 =	sadd.s32 s8, s7  }
0xf: {  	s8 =	ssub.s32 s6, s31;
	s6 =	sor.u32 $0x1C03, s10;
	s13 =	sshrl.u32 s13, $0x3  }
0x10: {  	s7 =	sadd.s32 $0x18800, s7;
	s8 =	smax.u32 s8, $0x1;
	s9 =	sadd.s32 $0x2000, s12  }
0x11: {  	s10 =	sadd.s32 $0xC000, s12;
	s11 =	sadd.s32 $0x2280, s12;
	s12 =	sadd.s32 $0xC280, s12  }
.LBB2_1:
0x12: {  	[spmem:s13], [sflag:s6] =	dma.local [hbm:s5], $0x2710  }
0x13: {  	_ =	swait.ge [sflag:s14], $0x2710  }
0x14: {  	[sflag:s14] =	ssyncset.done $0x0  }
0x15: {  	[sflag:s14] =	ssyncadd.s32 $0xFFFFD8F0  }
0x16: {  	[bflag:$0x0] =	sbarrier.arrive $0xFFFF  }
0x17: {  	[tilespmem:s4], [sflag:$0x3] =	stream.linear.gather [hbm4b:s9+s4], $0x1400, $0x38;
	[tilespmem:$0x1E080] =	vst v63  }
0x18: {  	_ =	swait.ge [sflag:s14], $0x1400  }
0x19: {  	[sflag:s14] =	ssyncset.done $0x0  }
0x1a: {  	[sflag:s14] =	ssyncadd.s32 $0xFFFFEC00  }
0x1b: {  	[tilespmem:s15], [sflag:$0x3] =	stream.linear.gather [hbm4b:s10+s4], $0x1400, $0x38;
	[tilespmem:$0x1E080] =	vst v63  }
0x1c: {  	_ =	swait.ge [sflag:s14], $0x1400  }
0x1d: {  	[sflag:s14] =	ssyncset.done $0x0  }
0x1e: {  	[sflag:s14] =	ssyncadd.s32 $0xFFFFEC00  }
0x1f: {  	[tilespmem:s17], [sflag:$0x1] =	stream.indirect.gather [hbm4b:s2+s16], $0x80, s4, s16, $0xb8;
	[tilespmem:$0x1E080] =	vst v63  }
0x20: {  	_ = 	snop  }
0x21: {  	[tilespmem:s19], [sflag:$0x2] =	stream.indirect.gather [hbm4b:s2+s16], $0x80, s18, s16, $0xb8;
	[tilespmem:$0x1E080] =	vst v63  }
0x22: {  	_ =	swait.ge [sflag:s20], $0x3E80  }
0x23: {  	[sflag:s20] =	ssyncset.done $0x0  }
0x24: {  	s25 =	simm.s32 $0x1400;
	[sflag:s20] =	ssyncadd.s32 $0xFFFFC180  }
0x25: {  	[spmem:s3] =	stream.indirect.scatter.add.f32 [tilespmem:s17], [sflag:$0x3], $0x80, s25, s16, $0xb8;
	[tilespmem:$0x1E080] =	vst v63  }
0x26: {  	_ =	swait.ge [sflag:s14], $0x3E80  }
0x27: {  	[sflag:s14] =	ssyncset.done $0x0  }
0x28: {  	s30 =	simm.s32 $0x100;
	[sflag:s14] =	ssyncadd.s32 $0xFFFFC180  }
0x29: {  	[tilespmem:s17], [sflag:$0x1] =	stream.indirect.gather [hbm4b:s2+s16], $0x80, s30, s16, $0xb8;
	[tilespmem:$0x1E080] =	vst v63  }
0x2a: {  	_ =	swait.ge [sflag:s21], $0x3E80  }
0x2b: {  	[sflag:s21] =	ssyncset.done $0x0  }
0x2c: {  	s31 =	simm.s32 $0x1480;
	[sflag:s21] =	ssyncadd.s32 $0xFFFFC180  }
0x2d: {  	[spmem:s3] =	stream.indirect.scatter.add.f32 [tilespmem:s19], [sflag:$0x3], $0x80, s31, s16, $0xb8;
	[tilespmem:$0x1E080] =	vst v63  }
0x2e: {  	_ =	swait.ge [sflag:s14], $0x3E80  }
0x2f: {  	[sflag:s14] =	ssyncset.done $0x0  }
0x30: {  	s26 =	simm.s32 $0x180;
	s25 =	simm.s32 $0x400;
	[sflag:s14] =	ssyncadd.s32 $0xFFFFC180  }
.LBB2_2:
0x31: {  	[tilespmem:s19], [sflag:$0x2] =	stream.indirect.gather [hbm4b:s2+s16], $0x80, s26, s16, $0xb8;
	[tilespmem:$0x1E080] =	vst v63  }
0x32: {  	s26 =	smov.u32 s25  }
0x33: {  	p0 =	sne.s32 s25, $0x4800;
	s25 =	sadd.s32 $0x400, s25;
	_ =	swait.ge [sflag:s20], $0x3E80  }
0x34: {  	s26 =	sshra.s32 s26, $0x2;
	[sflag:s20] =	ssyncset.done $0x0  }
0x35: {  	s28 =	sadd.s32 $0x1400, s26;
	[sflag:s20] =	ssyncadd.s32 $0xFFFFC180  }
0x36: {  	[spmem:s3] =	stream.indirect.scatter.add.f32 [tilespmem:s17], [sflag:$0x3], $0x80, s28, s16, $0xb8;
	[tilespmem:$0x1E080] =	vst v63  }
0x37: {  	_ =	swait.ge [sflag:s14], $0x3E80  }
0x38: {  	[sflag:s14] =	ssyncset.done $0x0  }
0x39: {  	s28 =	sadd.s32 $0x100, s26;
	[sflag:s14] =	ssyncadd.s32 $0xFFFFC180  }
0x3a: {  	[tilespmem:s17], [sflag:$0x1] =	stream.indirect.gather [hbm4b:s2+s16], $0x80, s28, s16, $0xb8;
	[tilespmem:$0x1E080] =	vst v63  }
0x3b: {  	_ =	swait.ge [sflag:s21], $0x3E80  }
0x3c: {  	[sflag:s21] =	ssyncset.done $0x0  }
.Ltmp0:
0x3d: {  	s28 =	sadd.s32 $0x1480, s26;
	[sflag:s21] =	ssyncadd.s32 $0xFFFFC180;
	(pc) =	sbr.rel @p0 .LBB2_2-.Ltmp0, $4  }
0x3e: {  	[spmem:s3] =	stream.indirect.scatter.add.f32 [tilespmem:s19], [sflag:$0x3], $0x80, s28, s16, $0xb8;
	[tilespmem:$0x1E080] =	vst v63  }
0x3f: {  	_ =	swait.ge [sflag:s14], $0x3E80  }
0x40: {  	[sflag:s14] =	ssyncset.done $0x0  }
0x41: {  	s26 =	sadd.s32 $0x180, s26;
	[sflag:s14] =	ssyncadd.s32 $0xFFFFC180  }
0x42: {  	[tilespmem:s19], [sflag:$0x2] =	stream.indirect.gather [hbm4b:s2+s16], $0x80, s26, s16, $0xb8;
	[tilespmem:$0x1E080] =	vst v63  }
0x43: {  	_ =	swait.ge [sflag:s20], $0x3E80  }
0x44: {  	[sflag:s20] =	ssyncset.done $0x0  }
0x45: {  	[sflag:s20] =	ssyncadd.s32 $0xFFFFC180  }
0x46: {  	[spmem:s3] =	stream.indirect.scatter.add.f32 [tilespmem:s17], [sflag:$0x3], $0x80, s22, s16, $0xb8;
	[tilespmem:$0x1E080] =	vst v63  }
0x47: {  	_ =	swait.ge [sflag:s14], $0x3E80  }
0x48: {  	[sflag:s14] =	ssyncset.done $0x0  }
0x49: {  	[sflag:s14] =	ssyncadd.s32 $0xFFFFC180  }
0x4a: {  	_ =	swait.ge [sflag:s21], $0x3E80  }
0x4b: {  	[sflag:s21] =	ssyncset.done $0x0  }
0x4c: {  	[sflag:s21] =	ssyncadd.s32 $0xFFFFC180  }
0x4d: {  	[spmem:s3] =	stream.indirect.scatter.add.f32 [tilespmem:s19], [sflag:$0x3], $0x80, s23, s16, $0xb8;
	[tilespmem:$0x1E080] =	vst v63  }
0x4e: {  	_ =	swait.ge [sflag:s14], $0x3E80  }
0x4f: {  	[sflag:s14] =	ssyncset.done $0x0  }
0x50: {  	s25 =	simm.s32 $0x0;
	[sflag:s14] =	ssyncadd.s32 $0xFFFFC180  }
0x51: {  	[tilespmem:s25], [sflag:$0x3] =	stream.linear.gather [hbm4b:s11+s25], $0x1400, $0x38;
	[tilespmem:$0x1E080] =	vst v63  }
0x52: {  	_ =	swait.ge [sflag:s14], $0x1400  }
0x53: {  	[sflag:s14] =	ssyncset.done $0x0  }
0x54: {  	[sflag:s14] =	ssyncadd.s32 $0xFFFFEC00  }
0x55: {  	[tilespmem:s15], [sflag:$0x3] =	stream.linear.gather [hbm4b:s12+s25], $0x1400, $0x38;
	[tilespmem:$0x1E080] =	vst v63  }
0x56: {  	_ =	swait.ge [sflag:s14], $0x1400  }
0x57: {  	[sflag:s14] =	ssyncset.done $0x0  }
0x58: {  	[sflag:s14] =	ssyncadd.s32 $0xFFFFEC00  }
0x59: {  	[tilespmem:s17], [sflag:$0x1] =	stream.indirect.gather [hbm4b:s2+s16], $0x80, s25, s16, $0xb8;
	[tilespmem:$0x1E080] =	vst v63  }
0x5a: {  	_ = 	snop  }
0x5b: {  	[tilespmem:s19], [sflag:$0x2] =	stream.indirect.gather [hbm4b:s2+s16], $0x80, s18, s16, $0xb8;
	[tilespmem:$0x1E080] =	vst v63  }
0x5c: {  	_ =	swait.ge [sflag:s20], $0x3E80  }
0x5d: {  	[sflag:s20] =	ssyncset.done $0x0  }
0x5e: {  	s29 =	simm.s32 $0x1400;
	[sflag:s20] =	ssyncadd.s32 $0xFFFFC180  }
0x5f: {  	[spmem:s3] =	stream.indirect.scatter.add.f32 [tilespmem:s17], [sflag:$0x3], $0x80, s29, s16, $0xb8;
	[tilespmem:$0x1E080] =	vst v63  }
0x60: {  	_ =	swait.ge [sflag:s14], $0x3E80  }
0x61: {  	[sflag:s14] =	ssyncset.done $0x0  }
0x62: {  	s30 =	simm.s32 $0x100;
	[sflag:s14] =	ssyncadd.s32 $0xFFFFC180  }
0x63: {  	[tilespmem:s17], [sflag:$0x1] =	stream.indirect.gather [hbm4b:s2+s16], $0x80, s30, s16, $0xb8;
	[tilespmem:$0x1E080] =	vst v63  }
0x64: {  	_ =	swait.ge [sflag:s21], $0x3E80  }
0x65: {  	[sflag:s21] =	ssyncset.done $0x0  }
0x66: {  	s31 =	simm.s32 $0x1480;
	[sflag:s21] =	ssyncadd.s32 $0xFFFFC180  }
0x67: {  	[spmem:s3] =	stream.indirect.scatter.add.f32 [tilespmem:s19], [sflag:$0x3], $0x80, s31, s16, $0xb8;
	[tilespmem:$0x1E080] =	vst v63  }
0x68: {  	_ =	swait.ge [sflag:s14], $0x3E80  }
0x69: {  	[sflag:s14] =	ssyncset.done $0x0  }
0x6a: {  	s26 =	simm.s32 $0x180;
	s25 =	simm.s32 $0x400;
	[sflag:s14] =	ssyncadd.s32 $0xFFFFC180  }
.LBB2_4:
0x6b: {  	[tilespmem:s19], [sflag:$0x2] =	stream.indirect.gather [hbm4b:s2+s16], $0x80, s26, s16, $0xb8;
	[tilespmem:$0x1E080] =	vst v63  }
0x6c: {  	s26 =	smov.u32 s25  }
0x6d: {  	p0 =	sne.s32 s25, $0x4800;
	s25 =	sadd.s32 $0x400, s25;
	_ =	swait.ge [sflag:s20], $0x3E80  }
0x6e: {  	s26 =	sshra.s32 s26, $0x2;
	[sflag:s20] =	ssyncset.done $0x0  }
0x6f: {  	s28 =	sadd.s32 $0x1400, s26;
	[sflag:s20] =	ssyncadd.s32 $0xFFFFC180  }
0x70: {  	[spmem:s3] =	stream.indirect.scatter.add.f32 [tilespmem:s17], [sflag:$0x3], $0x80, s28, s16, $0xb8;
	[tilespmem:$0x1E080] =	vst v63  }
0x71: {  	_ =	swait.ge [sflag:s14], $0x3E80  }
0x72: {  	[sflag:s14] =	ssyncset.done $0x0  }
0x73: {  	s28 =	sadd.s32 $0x100, s26;
	[sflag:s14] =	ssyncadd.s32 $0xFFFFC180  }
0x74: {  	[tilespmem:s17], [sflag:$0x1] =	stream.indirect.gather [hbm4b:s2+s16], $0x80, s28, s16, $0xb8;
	[tilespmem:$0x1E080] =	vst v63  }
0x75: {  	_ =	swait.ge [sflag:s21], $0x3E80  }
0x76: {  	[sflag:s21] =	ssyncset.done $0x0  }
.Ltmp1:
0x77: {  	s28 =	sadd.s32 $0x1480, s26;
	[sflag:s21] =	ssyncadd.s32 $0xFFFFC180;
	(pc) =	sbr.rel @p0 .LBB2_4-.Ltmp1, $4  }
0x78: {  	[spmem:s3] =	stream.indirect.scatter.add.f32 [tilespmem:s19], [sflag:$0x3], $0x80, s28, s16, $0xb8;
	[tilespmem:$0x1E080] =	vst v63  }
0x79: {  	_ =	swait.ge [sflag:s14], $0x3E80  }
0x7a: {  	[sflag:s14] =	ssyncset.done $0x0  }
0x7b: {  	s26 =	sadd.s32 $0x180, s26;
	[sflag:s14] =	ssyncadd.s32 $0xFFFFC180  }
0x7c: {  	[tilespmem:s19], [sflag:$0x2] =	stream.indirect.gather [hbm4b:s2+s16], $0x80, s26, s16, $0xb8;
	[tilespmem:$0x1E080] =	vst v63  }
0x7d: {  	_ =	swait.ge [sflag:s20], $0x3E80  }
0x7e: {  	[sflag:s20] =	ssyncset.done $0x0  }
0x7f: {  	[sflag:s20] =	ssyncadd.s32 $0xFFFFC180  }
0x80: {  	[spmem:s3] =	stream.indirect.scatter.add.f32 [tilespmem:s17], [sflag:$0x3], $0x80, s22, s16, $0xb8;
	[tilespmem:$0x1E080] =	vst v63  }
0x81: {  	_ =	swait.ge [sflag:s14], $0x3E80  }
0x82: {  	[sflag:s14] =	ssyncset.done $0x0  }
0x83: {  	[sflag:s14] =	ssyncadd.s32 $0xFFFFC180  }
0x84: {  	_ =	swait.ge [sflag:s21], $0x3E80  }
0x85: {  	[sflag:s21] =	ssyncset.done $0x0  }
0x86: {  	[sflag:s21] =	ssyncadd.s32 $0xFFFFC180  }
0x87: {  	[spmem:s3] =	stream.indirect.scatter.add.f32 [tilespmem:s19], [sflag:$0x3], $0x80, s23, s16, $0xb8;
	[tilespmem:$0x1E080] =	vst v63  }
0x88: {  	_ =	swait.ge [sflag:s14], $0x3E80  }
0x89: {  	s24 =	sadd.s32 $0x1, s24;
	[sflag:s14] =	ssyncset.done $0x0  }
0x8a: {  	p0 =	sne.s32 s24, s8;
	[sflag:s14] =	ssyncadd.s32 $0xFFFFC180  }
.Ltmp2:
0x8b: {  	[bflag:$0x0] =	sbarrier.arrive $0xFFFF;
	(pc) =	sbr.rel @p0 .LBB2_1-.Ltmp2, $4  }
0x8c: {  	[hbm:s7], [sflag:s6] =	dma.local [spmem:s13], $0x2710  }
0x8d: {  	_ =	swait.ge [sflag:s14], $0x2710  }
0x8e: {  	[sflag:s14] =	ssyncset.done $0x0  }
0x8f: {  	[sflag:s14] =	ssyncadd.s32 $0xFFFFD8F0  }
0x90: {  	_ =	sfence.sel $0x180000  }
0x91: {  	[bflag:$0x0] =	sbarrier.arrive $0xFFFF  }
0x92: {  	p0 =	sne.s32 s0, $0x0;
	_ =	strace $0x90000047  }
0x93: {  	s0 =	sadd.s32 @!p0 $0x100000, s1;
	[bflag:$0x2] =	sbarrier.arrive $0xFFFF  }
0x94: {  	[sflag:s0] =	ssyncadd.tile.s32 @!p0 $0x1;
	_ =	shalt  }
.Lfunc_end2:
_tile_overlayer_lowered:
.L_overlay_start_2:
0x95: {  	(tag) =	ssettag $0x2  }
0x96: {  	s0 =	rddreg [dreg:$0x0];
	s2 =	stileid.u32  }
0x97: {  	s1 =	rddreg [dreg:$0x1];
	p0 =	sne.s32 s2, $0x0  }
0x98: {  	s3 =	rddreg [dreg:$0x2];
	[bflag:$0x3] =	sbarrier.arrive $0xFFFF;
	s2 =	simm.s32 @!p0 $0x1C03  }
0x99: {  	[timem:s3], [sflag:s2] =	dma.local @!p0 [hbm:s0], s1  }
0x9a: {  	s0 =	simm.s32 @!p0 $0x3  }
0x9b: {  	_ =	swait.ge @!p0 [sflag:s0], s1  }
0x9c: {  	s1 =	ssub.s32 @!p0 $0x0, s1;
	[sflag:s0] =	ssyncset.done @!p0 $0x0  }
0x9d: {  	[sflag:s0] =	ssyncadd.s32 @!p0 s1  }
0x9e: {  	[bflag:$0x3] =	sbarrier.arrive $0xFFFF  }
0x9f: {  	_ =	shalt  }

</sc_bundles>
